<compile_context>
chip_gen: v7x
topology: tpu7x:2x2x1
jax: 0.10.2.dev20260603
libtpu: 0.0.44.dev20260713+nightly
codegen_flags: <defaults>
</compile_context>

<pallas_src>
import functools

import jax
import jax.numpy as jnp
from jax import lax
from jax.experimental import pallas as pl
from jax.experimental.pallas import tpu as pltpu
from jax.experimental.pallas import tpu_sc as plsc

N = 10000
E = 320000
D = 128
NC = 2
NS = 16
NW = NC * NS
C = 128
NCHUNK = 80
EPT = C * NCHUNK
EPAD = EPT - E // NW
NPAD = 10112
RPS = NPAD // NS

_mesh = plsc.VectorSubcoreMesh(core_axis_name="c", subcore_axis_name="s")


NHALF = NCHUNK // 2
NPAIR = NHALF // 2


@functools.partial(
    pl.kernel,
    out_type=(
        jax.ShapeDtypeStruct((NC, NPAD, D), jnp.float32),
        jax.ShapeDtypeStruct((NC * NPAD,), jnp.float32),
    ),
    mesh=_mesh,
    scratch_types=[
        pltpu.VMEM((NHALF, C), jnp.int32),
        pltpu.VMEM((NHALF, C), jnp.int32),
        pltpu.VMEM((C, D), jnp.float32),
        pltpu.VMEM((C, D), jnp.float32),
        pltpu.VMEM((C,), jnp.float32),
        pltpu.VMEM_SHARED((NPAD, D), jnp.float32),
        pltpu.VMEM_SHARED((NPAD,), jnp.float32),
        pltpu.SemaphoreType.DMA,
        pltpu.SemaphoreType.DMA,
        pltpu.SemaphoreType.DMA,
        pltpu.SemaphoreType.DMA,
        pltpu.SemaphoreType.DMA,
    ],
)
def _sc_aggregate(h_hbm, src_hbm, dst_hbm, zacc_hbm, zcnt_hbm,
                  sum_hbm, cnt_hbm,
                  src_v, dst_v, rows0_v, rows1_v, ones_v, acc_sp, cnt_sp,
                  semg0, semg1, sems0, sems1, semc):
    c = lax.axis_index("c")
    s = lax.axis_index("s")
    wid = s * NC + c

    for k in range(C // 16):
        ones_v[pl.ds(k * 16, 16)] = jnp.full((16,), 1.0, jnp.float32)

    r0 = s * RPS
    pltpu.async_copy(zacc_hbm, acc_sp.at[pl.ds(r0, RPS)], sems0)

    @pl.when(s == 0)
    def _():
        pltpu.async_copy(zcnt_hbm, cnt_sp, sems1)

    pltpu.make_async_copy(zacc_hbm, acc_sp.at[pl.ds(r0, RPS)], sems0).wait()

    @pl.when(s == 0)
    def _():
        pltpu.make_async_copy(zcnt_hbm, cnt_sp, sems1).wait()

    plsc.subcore_barrier()

    for half in range(2):
        pltpu.async_copy(src_hbm.at[wid, half], src_v, semg0)
        pltpu.async_copy(dst_hbm.at[wid, half], dst_v, semg1)
        pltpu.make_async_copy(src_hbm.at[wid, half], src_v, semg0).wait()
        pltpu.make_async_copy(dst_hbm.at[wid, half], dst_v, semg1).wait()
        pltpu.async_copy(h_hbm.at[src_v.at[0]], rows0_v, semg0)

        def body(g, carry):
            a = 2 * g
            b = a + 1

            @pl.when(g > 0)
            def _():
                pltpu.make_async_copy(rows1_v, acc_sp.at[dst_v.at[b]],
                                      sems1).wait()

            pltpu.async_copy(h_hbm.at[src_v.at[b]], rows1_v, semg1)

            pltpu.make_async_copy(h_hbm.at[src_v.at[a]], rows0_v,
                                  semg0).wait()
            pltpu.async_copy(rows0_v, acc_sp.at[dst_v.at[a]], sems0,
                             add=True)
            pltpu.async_copy(ones_v, cnt_sp.at[dst_v.at[a]], semc, add=True)

            @pl.when(g < NPAIR - 1)
            def _():
                pltpu.make_async_copy(rows0_v, acc_sp.at[dst_v.at[a]],
                                      sems0).wait()
                pltpu.async_copy(h_hbm.at[src_v.at[a + 2]], rows0_v, semg0)

            pltpu.make_async_copy(h_hbm.at[src_v.at[b]], rows1_v,
                                  semg1).wait()
            pltpu.async_copy(rows1_v, acc_sp.at[dst_v.at[b]], sems1,
                             add=True)
            pltpu.async_copy(ones_v, cnt_sp.at[dst_v.at[b]], semc, add=True)
            return carry

        lax.fori_loop(0, NPAIR, body, 0)

        pltpu.make_async_copy(rows0_v, acc_sp.at[dst_v.at[0]], sems0).wait()
        pltpu.make_async_copy(rows1_v, acc_sp.at[dst_v.at[0]], sems1).wait()

        pltpu.make_async_copy(rows0_v.at[pl.ds(0, NHALF * C * 4 // (D * 4))],
                              acc_sp.at[pl.ds(0, NHALF * C * 4 // (D * 4))],
                              semc).wait()

    plsc.subcore_barrier()

    pltpu.sync_copy(acc_sp.at[pl.ds(r0, RPS)], sum_hbm.at[c, pl.ds(r0, RPS)])

    @pl.when(s == 0)
    def _():
        pltpu.sync_copy(cnt_sp, cnt_hbm.at[pl.ds(c * NPAD, NPAD)])


BM = 5000


def _tc_body(h_ref, p_ref, cnt_ref, w_ref, b_ref, o_ref):
    h_b = h_ref[...]
    p = p_ref[0] + p_ref[1]
    cnt = cnt_ref[:, 0:1] + cnt_ref[:, 1:2]
    cmean = p / jnp.maximum(cnt, 1.0)
    z = (
        lax.dot_general(h_b, w_ref[:, :D], (((1,), (1,)), ((), ())),
                        preferred_element_type=jnp.float32)
        + lax.dot_general(cmean, w_ref[:, D:], (((1,), (1,)), ((), ())),
                          preferred_element_type=jnp.float32)
        + b_ref[...]
    )
    nrm = jnp.sqrt(jnp.sum(z * z, axis=1, keepdims=True))
    z = z / jnp.maximum(nrm, 1e-12)
    o_ref[...] = h_b + jnp.maximum(z, 0.0)


def _tc_combine(h, partial, cnts, W, b2):
    grid = (N // BM,)
    return pl.pallas_call(
        _tc_body,
        grid=grid,
        in_specs=[
            pl.BlockSpec((BM, D), lambda i: (i, 0)),
            pl.BlockSpec((NC, BM, D), lambda i: (0, i, 0)),
            pl.BlockSpec((BM, NC), lambda i: (i, 0)),
            pl.BlockSpec((D, 2 * D), lambda i: (0, 0)),
            pl.BlockSpec((1, D), lambda i: (0, 0)),
        ],
        out_specs=pl.BlockSpec((BM, D), lambda i: (i, 0)),
        out_shape=jax.ShapeDtypeStruct((N, D), jnp.float32),
        compiler_params=pltpu.CompilerParams(
            dimension_semantics=("parallel",),
        ),
    )(h, partial, cnts, W, b2)


def _pad_indices(idx, fill):
    per = idx.reshape(NW, E // NW)
    pad = jnp.broadcast_to(fill, (NW, EPAD))
    return jnp.concatenate([per, pad], axis=1).reshape(NW, 2, NCHUNK // 2, C)


def kernel(h, edge_index, W, b):
    src_fill = jnp.arange(EPAD, dtype=jnp.int32) % N
    dst_fill = N + jnp.arange(EPAD, dtype=jnp.int32) % (NPAD - N)
    src = _pad_indices(edge_index[0].astype(jnp.int32), src_fill)
    dst = _pad_indices(edge_index[1].astype(jnp.int32), dst_fill)
    zacc = jnp.zeros((RPS, D), jnp.float32)
    zcnt = jnp.zeros((NPAD,), jnp.float32)
    part_sum, cnt_flat = _sc_aggregate(h, src, dst, zacc, zcnt)
    cnt_pair = cnt_flat.reshape(NC, NPAD).T
    out = _tc_combine(h, part_sum, cnt_pair, W, b.reshape(1, D))
    return out

# --- scband reference (transcript-rebuilt; emitter-appended) ---
"""Pipeline reference for scband-graph-sage-layer-90159953478267 (READ-ONLY COPY).

The authoritative reference and input builder live on the scoring server;
editing this copy changes nothing except your own understanding.
"""

import jax, jax.numpy as jnp
import numpy as np

N_NODES = 10000
N_EDGES = 320000
D = 128


def setup_inputs(seed: int = 0) -> dict:
    key = jax.random.key(seed)
    k1, k2, k3 = jax.random.split(key, 3)
    h = jax.random.normal(k1, (N_NODES, D), dtype=jnp.float32)
    edge_index = jax.random.randint(k2, (2, N_EDGES), 0, N_NODES)
    # NodeApply linear: Linear(2*in_feats, out_feats)
    W = jax.random.normal(k3, (D, 2 * D), dtype=jnp.float32) * (1.0 / np.sqrt(2 * D))
    b = jnp.zeros((D,), dtype=jnp.float32)
    return {"h": h, "edge_index": edge_index, "W": W, "b": b}


def reference(h, edge_index, W, b):
    # GraphSageLayer (dgl_builtin=False, aggregator='mean', dropout=0.0 -> identity,
    # activation=None, batch_norm=False, residual=True)
    h_in = h
    src = edge_index[0]
    dst = edge_index[1]
    # update_all(copy_src('h','m'), mean('m','c')): mean of source features over in-edges
    msgs = jnp.take(h, src, axis=0)
    summed = jax.ops.segment_sum(msgs, dst, num_segments=N_NODES)
    cnt = jax.ops.segment_sum(jnp.ones((N_EDGES,), dtype=h.dtype), dst, num_segments=N_NODES)
    c = summed / jnp.maximum(cnt, 1.0)[:, None]
    # NodeApply: linear(cat(h, c)) then L2 normalize (activation=None -> skipped)
    bundle = jnp.concatenate([h, c], axis=1) @ W.T + b
    nrm = jnp.sqrt(jnp.sum(bundle * bundle, axis=1, keepdims=True))
    bundle = bundle / jnp.maximum(nrm, 1e-12)
    # outer layer: (no batchnorm) -> relu -> residual add
    out = jax.nn.relu(bundle)
    out = h_in + out
    return out

if __name__ == "__main__":
    import jax
    _d = setup_inputs()
    print(jax.jit(kernel)(*tuple(_d.values())))

</pallas_src>

<mosaic_0001>
#map = affine_map<(d0, d1) -> (0, 0)>
#map1 = affine_map<(d0, d1) -> (0, 0, 0, 0)>
#map2 = affine_map<(d0, d1) -> (0)>
#map3 = affine_map<(d0, d1) -> (0, 0, 0)>
module attributes {stable_mosaic.version = 14 : i64} {
  func.func @_sc_aggregate(%arg0: i32, %arg1: i32, %arg2: memref<10000x128xf32, #tpu.memory_space<hbm>>, %arg3: memref<32x2x40x128xi32, #tpu.memory_space<hbm>>, %arg4: memref<32x2x40x128xi32, #tpu.memory_space<hbm>>, %arg5: memref<632x128xf32, #tpu.memory_space<hbm>>, %arg6: memref<10112xf32, #tpu.memory_space<hbm>>, %arg7: memref<2x10112x128xf32, #tpu.memory_space<hbm>>, %arg8: memref<20224xf32, #tpu.memory_space<hbm>>, %arg9: memref<40x128xi32, #tpu.memory_space<vmem>>, %arg10: memref<40x128xi32, #tpu.memory_space<vmem>>, %arg11: memref<128x128xf32, #tpu.memory_space<vmem>>, %arg12: memref<128x128xf32, #tpu.memory_space<vmem>>, %arg13: memref<128xf32, #tpu.memory_space<vmem>>, %arg14: memref<10112x128xf32, #tpu.memory_space<vmem_shared>>, %arg15: memref<10112xf32, #tpu.memory_space<vmem_shared>>, %arg16: memref<!tpu.dma_semaphore, #tpu.memory_space<semaphore_mem>>, %arg17: memref<!tpu.dma_semaphore, #tpu.memory_space<semaphore_mem>>, %arg18: memref<!tpu.dma_semaphore, #tpu.memory_space<semaphore_mem>>, %arg19: memref<!tpu.dma_semaphore, #tpu.memory_space<semaphore_mem>>, %arg20: memref<!tpu.dma_semaphore, #tpu.memory_space<semaphore_mem>>) attributes {dimension_semantics = [#tpu.dimension_semantics<core_parallel>, #tpu.dimension_semantics<subcore_parallel>], iteration_bounds = array<i64: 2, 16>, scalar_prefetch = 0 : i64, scratch_operands = 12 : i64, tpu.core_type = #tpu.core_type<sc_vector_subcore>, window_params = [{transform_indices = #map}, {transform_indices = #map1}, {transform_indices = #map1}, {transform_indices = #map}, {transform_indices = #map2}, {transform_indices = #map3}, {transform_indices = #map2}]} {
    %mul3A = arith.constant 2 : i32
    %mul3A_0 = arith.muli %arg1, %mul3A : i32
    %add3A = arith.addi %mul3A_0, %arg0 : i32
    %broadcast_in_dim3A = arith.constant 1.000000e+00 : f32
    %broadcast_in_dim3A_1 = vector.broadcast %broadcast_in_dim3A : f32 to vector<16xf32>
    %swap3A = arith.constant 0 : index
    %swap3A_2 = tpu.vector_load %arg13[%swap3A] {strides = array<i32>} : memref<128xf32, #tpu.memory_space<vmem>>, vector<16xf32>,
    %swap3A_3 = vector.shape_cast %swap3A_2 : vector<16xf32> to vector<16xf32>
    %swap3A_4 = vector.shape_cast %broadcast_in_dim3A_1 : vector<16xf32> to vector<16xf32>
    tpu.vector_store %arg13[%swap3A], %swap3A_4 {strides = array<i32>} : memref<128xf32, #tpu.memory_space<vmem>>, vector<16xf32>,
    %broadcast_in_dim3A_5 = arith.constant 1.000000e+00 : f32
    %broadcast_in_dim3A_6 = vector.broadcast %broadcast_in_dim3A_5 : f32 to vector<16xf32>
    %swap3A_7 = arith.constant 16 : index
    %swap3A_8 = tpu.vector_load %arg13[%swap3A_7] {strides = array<i32>} : memref<128xf32, #tpu.memory_space<vmem>>, vector<16xf32>,
    %swap3A_9 = vector.shape_cast %swap3A_8 : vector<16xf32> to vector<16xf32>
    %swap3A_10 = vector.shape_cast %broadcast_in_dim3A_6 : vector<16xf32> to vector<16xf32>
    tpu.vector_store %arg13[%swap3A_7], %swap3A_10 {strides = array<i32>} : memref<128xf32, #tpu.memory_space<vmem>>, vector<16xf32>,
    %broadcast_in_dim3A_11 = arith.constant 1.000000e+00 : f32
    %broadcast_in_dim3A_12 = vector.broadcast %broadcast_in_dim3A_11 : f32 to vector<16xf32>
    %swap3A_13 = arith.constant 32 : index
    %swap3A_14 = tpu.vector_load %arg13[%swap3A_13] {strides = array<i32>} : memref<128xf32, #tpu.memory_space<vmem>>, vector<16xf32>,
    %swap3A_15 = vector.shape_cast %swap3A_14 : vector<16xf32> to vector<16xf32>
    %swap3A_16 = vector.shape_cast %broadcast_in_dim3A_12 : vector<16xf32> to vector<16xf32>
    tpu.vector_store %arg13[%swap3A_13], %swap3A_16 {strides = array<i32>} : memref<128xf32, #tpu.memory_space<vmem>>, vector<16xf32>,
    %broadcast_in_dim3A_17 = arith.constant 1.000000e+00 : f32
    %broadcast_in_dim3A_18 = vector.broadcast %broadcast_in_dim3A_17 : f32 to vector<16xf32>
    %swap3A_19 = arith.constant 48 : index
    %swap3A_20 = tpu.vector_load %arg13[%swap3A_19] {strides = array<i32>} : memref<128xf32, #tpu.memory_space<vmem>>, vector<16xf32>,
    %swap3A_21 = vector.shape_cast %swap3A_20 : vector<16xf32> to vector<16xf32>
    %swap3A_22 = vector.shape_cast %broadcast_in_dim3A_18 : vector<16xf32> to vector<16xf32>
    tpu.vector_store %arg13[%swap3A_19], %swap3A_22 {strides = array<i32>} : memref<128xf32, #tpu.memory_space<vmem>>, vector<16xf32>,
    %broadcast_in_dim3A_23 = arith.constant 1.000000e+00 : f32
    %broadcast_in_dim3A_24 = vector.broadcast %broadcast_in_dim3A_23 : f32 to vector<16xf32>
    %swap3A_25 = arith.constant 64 : index
    %swap3A_26 = tpu.vector_load %arg13[%swap3A_25] {strides = array<i32>} : memref<128xf32, #tpu.memory_space<vmem>>, vector<16xf32>,
    %swap3A_27 = vector.shape_cast %swap3A_26 : vector<16xf32> to vector<16xf32>
    %swap3A_28 = vector.shape_cast %broadcast_in_dim3A_24 : vector<16xf32> to vector<16xf32>
    tpu.vector_store %arg13[%swap3A_25], %swap3A_28 {strides = array<i32>} : memref<128xf32, #tpu.memory_space<vmem>>, vector<16xf32>,
    %broadcast_in_dim3A_29 = arith.constant 1.000000e+00 : f32
    %broadcast_in_dim3A_30 = vector.broadcast %broadcast_in_dim3A_29 : f32 to vector<16xf32>
    %swap3A_31 = arith.constant 80 : index
    %swap3A_32 = tpu.vector_load %arg13[%swap3A_31] {strides = array<i32>} : memref<128xf32, #tpu.memory_space<vmem>>, vector<16xf32>,
    %swap3A_33 = vector.shape_cast %swap3A_32 : vector<16xf32> to vector<16xf32>
    %swap3A_34 = vector.shape_cast %broadcast_in_dim3A_30 : vector<16xf32> to vector<16xf32>
    tpu.vector_store %arg13[%swap3A_31], %swap3A_34 {strides = array<i32>} : memref<128xf32, #tpu.memory_space<vmem>>, vector<16xf32>,
    %broadcast_in_dim3A_35 = arith.constant 1.000000e+00 : f32
    %broadcast_in_dim3A_36 = vector.broadcast %broadcast_in_dim3A_35 : f32 to vector<16xf32>
    %swap3A_37 = arith.constant 96 : index
    %swap3A_38 = tpu.vector_load %arg13[%swap3A_37] {strides = array<i32>} : memref<128xf32, #tpu.memory_space<vmem>>, vector<16xf32>,
    %swap3A_39 = vector.shape_cast %swap3A_38 : vector<16xf32> to vector<16xf32>
    %swap3A_40 = vector.shape_cast %broadcast_in_dim3A_36 : vector<16xf32> to vector<16xf32>
    tpu.vector_store %arg13[%swap3A_37], %swap3A_40 {strides = array<i32>} : memref<128xf32, #tpu.memory_space<vmem>>, vector<16xf32>,
    %broadcast_in_dim3A_41 = arith.constant 1.000000e+00 : f32
    %broadcast_in_dim3A_42 = vector.broadcast %broadcast_in_dim3A_41 : f32 to vector<16xf32>
    %swap3A_43 = arith.constant 112 : index
    %swap3A_44 = tpu.vector_load %arg13[%swap3A_43] {strides = array<i32>} : memref<128xf32, #tpu.memory_space<vmem>>, vector<16xf32>,
    %swap3A_45 = vector.shape_cast %swap3A_44 : vector<16xf32> to vector<16xf32>
    %swap3A_46 = vector.shape_cast %broadcast_in_dim3A_42 : vector<16xf32> to vector<16xf32>
    tpu.vector_store %arg13[%swap3A_43], %swap3A_46 {strides = array<i32>} : memref<128xf32, #tpu.memory_space<vmem>>, vector<16xf32>,
    %mul3A_47 = arith.constant 632 : i32
    %mul3A_48 = arith.muli %arg1, %mul3A_47 : i32
    %dma_start3A = arith.constant 0 : i32
    %dma_start3A_49 = tpu.memref_slice %arg14[%mul3A_48, %dma_start3A] : memref<10112x128xf32, #tpu.memory_space<vmem_shared>> -> memref<632x128xf32, #tpu.memory_space<vmem_shared>>
    tpu.enqueue_dma source(%arg5 : memref<632x128xf32, #tpu.memory_space<hbm>>) target(%dma_start3A_49 : memref<632x128xf32, #tpu.memory_space<vmem_shared>>) target_semaphore(%arg18 : memref<!tpu.dma_semaphore, #tpu.memory_space<semaphore_mem>>)
    %eq3A = arith.constant 0 : i32
    %eq3A_50 = arith.cmpi eq, %arg1, %eq3A : i32
    %convert_element_type3A = arith.extui %eq3A_50 : i1 to i32
    %cond3A = arith.constant 0 : i32
    %cond3A_51 = arith.cmpi ne, %convert_element_type3A, %cond3A : i32
    scf.if %cond3A_51 {
      tpu.enqueue_dma source(%arg6 : memref<10112xf32, #tpu.memory_space<hbm>>) target(%arg15 : memref<10112xf32, #tpu.memory_space<vmem_shared>>) target_semaphore(%arg19 : memref<!tpu.dma_semaphore, #tpu.memory_space<semaphore_mem>>)
    } else {
    }
    %dma_wait3A = arith.constant 0 : i32
    %dma_wait3A_52 = tpu.memref_slice %arg14[%mul3A_48, %dma_wait3A] : memref<10112x128xf32, #tpu.memory_space<vmem_shared>> -> memref<632x128xf32, #tpu.memory_space<vmem_shared>>
    tpu.wait_dma2 semaphore(%arg18 : memref<!tpu.dma_semaphore, #tpu.memory_space<semaphore_mem>>) src(%arg5 : memref<632x128xf32, #tpu.memory_space<hbm>>) dst(%dma_wait3A_52 : memref<632x128xf32, #tpu.memory_space<vmem_shared>>)
    %eq3A_53 = arith.constant 0 : i32
    %eq3A_54 = arith.cmpi eq, %arg1, %eq3A_53 : i32
    %convert_element_type3A_55 = arith.extui %eq3A_54 : i1 to i32
    %cond3A_56 = arith.constant 0 : i32
    %cond3A_57 = arith.cmpi ne, %convert_element_type3A_55, %cond3A_56 : i32
    scf.if %cond3A_57 {
      tpu.wait_dma2 semaphore(%arg19 : memref<!tpu.dma_semaphore, #tpu.memory_space<semaphore_mem>>) src(%arg6 : memref<10112xf32, #tpu.memory_space<hbm>>) dst(%arg15 : memref<10112xf32, #tpu.memory_space<vmem_shared>>)
    } else {
    }
    %barrier3A = arith.constant 0 : index
    tpu.barrier barrier_id(%barrier3A)
    %dma_start3A_58 = arith.constant 0 : i32
    %dma_start3A_59 = arith.constant 0 : i32
    %dma_start3A_60 = arith.constant 0 : i32
    %dma_start3A_61 = tpu.memref_slice %arg3[%add3A, %dma_start3A_58, %dma_start3A_59, %dma_start3A_60] : memref<32x2x40x128xi32, #tpu.memory_space<hbm>> -> memref<1x1x40x128xi32, #tpu.memory_space<hbm>>
    %dma_start3A_62 = tpu.memref_squeeze %dma_start3A_61 : memref<1x1x40x128xi32, #tpu.memory_space<hbm>> -> memref<40x128xi32, #tpu.memory_space<hbm>>
    %dma_start3A_63 = arith.constant 0 : i32
    %dma_start3A_64 = arith.constant 0 : i32
    %dma_start3A_65 = tpu.memref_slice %arg3[%add3A, %dma_start3A_58, %dma_start3A_63, %dma_start3A_64] : memref<32x2x40x128xi32, #tpu.memory_space<hbm>> -> memref<1x1x40x128xi32, #tpu.memory_space<hbm>>
    %dma_start3A_66 = tpu.memref_squeeze %dma_start3A_65 : memref<1x1x40x128xi32, #tpu.memory_space<hbm>> -> memref<40x128xi32, #tpu.memory_space<hbm>>
    tpu.enqueue_dma source(%dma_start3A_66 : memref<40x128xi32, #tpu.memory_space<hbm>>) target(%arg9 : memref<40x128xi32, #tpu.memory_space<vmem>>) target_semaphore(%arg16 : memref<!tpu.dma_semaphore, #tpu.memory_space<semaphore_mem>>)
    %dma_start3A_67 = arith.constant 0 : i32
    %dma_start3A_68 = arith.constant 0 : i32
    %dma_start3A_69 = arith.constant 0 : i32
    %dma_start3A_70 = tpu.memref_slice %arg4[%add3A, %dma_start3A_67, %dma_start3A_68, %dma_start3A_69] : memref<32x2x40x128xi32, #tpu.memory_space<hbm>> -> memref<1x1x40x128xi32, #tpu.memory_space<hbm>>
    %dma_start3A_71 = tpu.memref_squeeze %dma_start3A_70 : memref<1x1x40x128xi32, #tpu.memory_space<hbm>> -> memref<40x128xi32, #tpu.memory_space<hbm>>
    %dma_start3A_72 = arith.constant 0 : i32
    %dma_start3A_73 = arith.constant 0 : i32
    %dma_start3A_74 = tpu.memref_slice %arg4[%add3A, %dma_start3A_67, %dma_start3A_72, %dma_start3A_73] : memref<32x2x40x128xi32, #tpu.memory_space<hbm>> -> memref<1x1x40x128xi32, #tpu.memory_space<hbm>>
    %dma_start3A_75 = tpu.memref_squeeze %dma_start3A_74 : memref<1x1x40x128xi32, #tpu.memory_space<hbm>> -> memref<40x128xi32, #tpu.memory_space<hbm>>
    tpu.enqueue_dma source(%dma_start3A_75 : memref<40x128xi32, #tpu.memory_space<hbm>>) target(%arg10 : memref<40x128xi32, #tpu.memory_space<vmem>>) target_semaphore(%arg17 : memref<!tpu.dma_semaphore, #tpu.memory_space<semaphore_mem>>)
    %dma_wait3A_76 = arith.constant 0 : i32
    %dma_wait3A_77 = arith.constant 0 : i32
    %dma_wait3A_78 = arith.constant 0 : i32
    %dma_wait3A_79 = tpu.memref_slice %arg3[%add3A, %dma_wait3A_76, %dma_wait3A_77, %dma_wait3A_78] : memref<32x2x40x128xi32, #tpu.memory_space<hbm>> -> memref<1x1x40x128xi32, #tpu.memory_space<hbm>>
    %dma_wait3A_80 = tpu.memref_squeeze %dma_wait3A_79 : memref<1x1x40x128xi32, #tpu.memory_space<hbm>> -> memref<40x128xi32, #tpu.memory_space<hbm>>
    %dma_wait3A_81 = arith.constant 0 : i32
    %dma_wait3A_82 = arith.constant 0 : i32
    %dma_wait3A_83 = tpu.memref_slice %arg3[%add3A, %dma_wait3A_76, %dma_wait3A_81, %dma_wait3A_82] : memref<32x2x40x128xi32, #tpu.memory_space<hbm>> -> memref<1x1x40x128xi32, #tpu.memory_space<hbm>>
    %dma_wait3A_84 = tpu.memref_squeeze %dma_wait3A_83 : memref<1x1x40x128xi32, #tpu.memory_space<hbm>> -> memref<40x128xi32, #tpu.memory_space<hbm>>
    tpu.wait_dma2 semaphore(%arg16 : memref<!tpu.dma_semaphore, #tpu.memory_space<semaphore_mem>>) src(%dma_wait3A_84 : memref<40x128xi32, #tpu.memory_space<hbm>>) dst(%arg9 : memref<40x128xi32, #tpu.memory_space<vmem>>)
    %dma_wait3A_85 = arith.constant 0 : i32
    %dma_wait3A_86 = arith.constant 0 : i32
    %dma_wait3A_87 = arith.constant 0 : i32
    %dma_wait3A_88 = tpu.memref_slice %arg4[%add3A, %dma_wait3A_85, %dma_wait3A_86, %dma_wait3A_87] : memref<32x2x40x128xi32, #tpu.memory_space<hbm>> -> memref<1x1x40x128xi32, #tpu.memory_space<hbm>>
    %dma_wait3A_89 = tpu.memref_squeeze %dma_wait3A_88 : memref<1x1x40x128xi32, #tpu.memory_space<hbm>> -> memref<40x128xi32, #tpu.memory_space<hbm>>
    %dma_wait3A_90 = arith.constant 0 : i32
    %dma_wait3A_91 = arith.constant 0 : i32
    %dma_wait3A_92 = tpu.memref_slice %arg4[%add3A, %dma_wait3A_85, %dma_wait3A_90, %dma_wait3A_91] : memref<32x2x40x128xi32, #tpu.memory_space<hbm>> -> memref<1x1x40x128xi32, #tpu.memory_space<hbm>>
    %dma_wait3A_93 = tpu.memref_squeeze %dma_wait3A_92 : memref<1x1x40x128xi32, #tpu.memory_space<hbm>> -> memref<40x128xi32, #tpu.memory_space<hbm>>
    tpu.wait_dma2 semaphore(%arg17 : memref<!tpu.dma_semaphore, #tpu.memory_space<semaphore_mem>>) src(%dma_wait3A_93 : memref<40x128xi32, #tpu.memory_space<hbm>>) dst(%arg10 : memref<40x128xi32, #tpu.memory_space<vmem>>)
    %dma_start3A_94 = arith.constant 0 : i32
    %dma_start3A_95 = arith.constant 0 : i32
    %dma_start3A_96 = tpu.memref_slice %arg9[%dma_start3A_94, %dma_start3A_95] : memref<40x128xi32, #tpu.memory_space<vmem>> -> memref<1x128xi32, #tpu.memory_space<vmem>>
    %dma_start3A_97 = tpu.memref_squeeze %dma_start3A_96 : memref<1x128xi32, #tpu.memory_space<vmem>> -> memref<128xi32, #tpu.memory_space<vmem>>
    %dma_start3A_98 = arith.constant 0 : i32
    %dma_start3A_99 = arith.constant 0 : i32
    %dma_start3A_100 = tpu.memref_slice %arg2[%dma_start3A_98, %dma_start3A_99] : memref<10000x128xf32, #tpu.memory_space<hbm>> -> memref<10000x128xf32, #tpu.memory_space<hbm>>
    tpu.enqueue_indirect_dma source(%dma_start3A_100 : memref<10000x128xf32, #tpu.memory_space<hbm>>) target(%arg11 : memref<128x128xf32, #tpu.memory_space<vmem>>) offsets(%dma_start3A_97 : memref<128xi32, #tpu.memory_space<vmem>>) semaphore(%arg16 : memref<!tpu.dma_semaphore, #tpu.memory_space<semaphore_mem>>)
    %scan3A = arith.constant 0 : i32
    %scan3A_101 = arith.constant 0 : i32
    %scan3A_102 = arith.constant 20 : i32
    %scan3A_103 = arith.addi %scan3A_101, %scan3A_102 : i32
    %scan3A_104 = arith.constant 1 : i32
    scf.for %scan3A_213 = %scan3A_101 to %scan3A_103 step %scan3A_104  : i32 {
      %mul3A_214 = arith.constant 2 : i32
      %mul3A_215 = arith.muli %mul3A_214, %scan3A_213 : i32
      %add3A_216 = arith.constant 1 : i32
      %add3A_217 = arith.addi %mul3A_215, %add3A_216 : i32
      %gt3A = arith.constant 0 : i32
      %gt3A_218 = arith.cmpi sgt, %scan3A_213, %gt3A : i32
      %convert_element_type3A_219 = arith.extui %gt3A_218 : i1 to i32
      %cond3A_220 = arith.constant 0 : i32
      %cond3A_221 = arith.cmpi ne, %convert_element_type3A_219, %cond3A_220 : i32
      scf.if %cond3A_221 {
        %dma_wait3A_266 = arith.constant 0 : i32
        %dma_wait3A_267 = tpu.memref_slice %arg10[%add3A_217, %dma_wait3A_266] : memref<40x128xi32, #tpu.memory_space<vmem>> -> memref<1x128xi32, #tpu.memory_space<vmem>>
        %dma_wait3A_268 = tpu.memref_squeeze %dma_wait3A_267 : memref<1x128xi32, #tpu.memory_space<vmem>> -> memref<128xi32, #tpu.memory_space<vmem>>
        %dma_wait3A_269 = arith.constant 0 : i32
        %dma_wait3A_270 = arith.constant 0 : i32
        %dma_wait3A_271 = tpu.memref_slice %arg14[%dma_wait3A_269, %dma_wait3A_270] : memref<10112x128xf32, #tpu.memory_space<vmem_shared>> -> memref<10112x128xf32, #tpu.memory_space<vmem_shared>>
        tpu.wait_indirect_dma semaphore(%arg19 : memref<!tpu.dma_semaphore, #tpu.memory_space<semaphore_mem>>) src(%arg12 : memref<128x128xf32, #tpu.memory_space<vmem>>) dst(%dma_wait3A_271 : memref<10112x128xf32, #tpu.memory_space<vmem_shared>>)
      } else {
      }
      %dma_start3A_222 = arith.constant 0 : i32
      %dma_start3A_223 = tpu.memref_slice %arg9[%add3A_217, %dma_start3A_222] : memref<40x128xi32, #tpu.memory_space<vmem>> -> memref<1x128xi32, #tpu.memory_space<vmem>>
      %dma_start3A_224 = tpu.memref_squeeze %dma_start3A_223 : memref<1x128xi32, #tpu.memory_space<vmem>> -> memref<128xi32, #tpu.memory_space<vmem>>
      %dma_start3A_225 = arith.constant 0 : i32
      %dma_start3A_226 = arith.constant 0 : i32
      %dma_start3A_227 = tpu.memref_slice %arg2[%dma_start3A_225, %dma_start3A_226] : memref<10000x128xf32, #tpu.memory_space<hbm>> -> memref<10000x128xf32, #tpu.memory_space<hbm>>
      tpu.enqueue_indirect_dma source(%dma_start3A_227 : memref<10000x128xf32, #tpu.memory_space<hbm>>) target(%arg12 : memref<128x128xf32, #tpu.memory_space<vmem>>) offsets(%dma_start3A_224 : memref<128xi32, #tpu.memory_space<vmem>>) semaphore(%arg17 : memref<!tpu.dma_semaphore, #tpu.memory_space<semaphore_mem>>)
      %dma_wait3A_228 = arith.constant 0 : i32
      %dma_wait3A_229 = tpu.memref_slice %arg9[%mul3A_215, %dma_wait3A_228] : memref<40x128xi32, #tpu.memory_space<vmem>> -> memref<1x128xi32, #tpu.memory_space<vmem>>
      %dma_wait3A_230 = tpu.memref_squeeze %dma_wait3A_229 : memref<1x128xi32, #tpu.memory_space<vmem>> -> memref<128xi32, #tpu.memory_space<vmem>>
      %dma_wait3A_231 = arith.constant 0 : i32
      %dma_wait3A_232 = arith.constant 0 : i32
      %dma_wait3A_233 = tpu.memref_slice %arg2[%dma_wait3A_231, %dma_wait3A_232] : memref<10000x128xf32, #tpu.memory_space<hbm>> -> memref<10000x128xf32, #tpu.memory_space<hbm>>
      tpu.wait_indirect_dma semaphore(%arg16 : memref<!tpu.dma_semaphore, #tpu.memory_space<semaphore_mem>>) src(%dma_wait3A_233 : memref<10000x128xf32, #tpu.memory_space<hbm>>) dst(%arg11 : memref<128x128xf32, #tpu.memory_space<vmem>>)
      %dma_start3A_234 = arith.constant 0 : i32
      %dma_start3A_235 = tpu.memref_slice %arg10[%mul3A_215, %dma_start3A_234] : memref<40x128xi32, #tpu.memory_space<vmem>> -> memref<1x128xi32, #tpu.memory_space<vmem>>
      %dma_start3A_236 = tpu.memref_squeeze %dma_start3A_235 : memref<1x128xi32, #tpu.memory_space<vmem>> -> memref<128xi32, #tpu.memory_space<vmem>>
      %dma_start3A_237 = arith.constant 0 : i32
      %dma_start3A_238 = arith.constant 0 : i32
      %dma_start3A_239 = tpu.memref_slice %arg14[%dma_start3A_237, %dma_start3A_238] : memref<10112x128xf32, #tpu.memory_space<vmem_shared>> -> memref<10112x128xf32, #tpu.memory_space<vmem_shared>>
      tpu.enqueue_indirect_dma source(%arg11 : memref<128x128xf32, #tpu.memory_space<vmem>>) target(%dma_start3A_239 : memref<10112x128xf32, #tpu.memory_space<vmem_shared>>) offsets(%dma_start3A_236 : memref<128xi32, #tpu.memory_space<vmem>>) semaphore(%arg18 : memref<!tpu.dma_semaphore, #tpu.memory_space<semaphore_mem>>) {add = true}
      %dma_start3A_240 = arith.constant 0 : i32
      %dma_start3A_241 = tpu.memref_slice %arg10[%mul3A_215, %dma_start3A_240] : memref<40x128xi32, #tpu.memory_space<vmem>> -> memref<1x128xi32, #tpu.memory_space<vmem>>
      %dma_start3A_242 = tpu.memref_squeeze %dma_start3A_241 : memref<1x128xi32, #tpu.memory_space<vmem>> -> memref<128xi32, #tpu.memory_space<vmem>>
      %dma_start3A_243 = arith.constant 0 : i32
      %dma_start3A_244 = tpu.memref_slice %arg15[%dma_start3A_243] : memref<10112xf32, #tpu.memory_space<vmem_shared>> -> memref<10112xf32, #tpu.memory_space<vmem_shared>>
      tpu.enqueue_indirect_dma source(%arg13 : memref<128xf32, #tpu.memory_space<vmem>>) target(%dma_start3A_244 : memref<10112xf32, #tpu.memory_space<vmem_shared>>) offsets(%dma_start3A_242 : memref<128xi32, #tpu.memory_space<vmem>>) semaphore(%arg20 : memref<!tpu.dma_semaphore, #tpu.memory_space<semaphore_mem>>) {add = true}
      %lt3A = arith.constant 19 : i32
      %lt3A_245 = arith.cmpi slt, %scan3A_213, %lt3A : i32
      %convert_element_type3A_246 = arith.extui %lt3A_245 : i1 to i32
      %cond3A_247 = arith.constant 0 : i32
      %cond3A_248 = arith.cmpi ne, %convert_element_type3A_246, %cond3A_247 : i32
      scf.if %cond3A_248 {
        %dma_wait3A_266 = arith.constant 0 : i32
        %dma_wait3A_267 = tpu.memref_slice %arg10[%mul3A_215, %dma_wait3A_266] : memref<40x128xi32, #tpu.memory_space<vmem>> -> memref<1x128xi32, #tpu.memory_space<vmem>>
        %dma_wait3A_268 = tpu.memref_squeeze %dma_wait3A_267 : memref<1x128xi32, #tpu.memory_space<vmem>> -> memref<128xi32, #tpu.memory_space<vmem>>
        %dma_wait3A_269 = arith.constant 0 : i32
        %dma_wait3A_270 = arith.constant 0 : i32
        %dma_wait3A_271 = tpu.memref_slice %arg14[%dma_wait3A_269, %dma_wait3A_270] : memref<10112x128xf32, #tpu.memory_space<vmem_shared>> -> memref<10112x128xf32, #tpu.memory_space<vmem_shared>>
        tpu.wait_indirect_dma semaphore(%arg18 : memref<!tpu.dma_semaphore, #tpu.memory_space<semaphore_mem>>) src(%arg11 : memref<128x128xf32, #tpu.memory_space<vmem>>) dst(%dma_wait3A_271 : memref<10112x128xf32, #tpu.memory_space<vmem_shared>>)
        %add3A_272 = arith.constant 2 : i32
        %add3A_273 = arith.addi %mul3A_215, %add3A_272 : i32
        %dma_start3A_274 = arith.constant 0 : i32
        %dma_start3A_275 = tpu.memref_slice %arg9[%add3A_273, %dma_start3A_274] : memref<40x128xi32, #tpu.memory_space<vmem>> -> memref<1x128xi32, #tpu.memory_space<vmem>>
        %dma_start3A_276 = tpu.memref_squeeze %dma_start3A_275 : memref<1x128xi32, #tpu.memory_space<vmem>> -> memref<128xi32, #tpu.memory_space<vmem>>
        %dma_start3A_277 = arith.constant 0 : i32
        %dma_start3A_278 = arith.constant 0 : i32
        %dma_start3A_279 = tpu.memref_slice %arg2[%dma_start3A_277, %dma_start3A_278] : memref<10000x128xf32, #tpu.memory_space<hbm>> -> memref<10000x128xf32, #tpu.memory_space<hbm>>
        tpu.enqueue_indirect_dma source(%dma_start3A_279 : memref<10000x128xf32, #tpu.memory_space<hbm>>) target(%arg11 : memref<128x128xf32, #tpu.memory_space<vmem>>) offsets(%dma_start3A_276 : memref<128xi32, #tpu.memory_space<vmem>>) semaphore(%arg16 : memref<!tpu.dma_semaphore, #tpu.memory_space<semaphore_mem>>)
      } else {
      }
      %dma_wait3A_249 = arith.constant 0 : i32
      %dma_wait3A_250 = tpu.memref_slice %arg9[%add3A_217, %dma_wait3A_249] : memref<40x128xi32, #tpu.memory_space<vmem>> -> memref<1x128xi32, #tpu.memory_space<vmem>>
      %dma_wait3A_251 = tpu.memref_squeeze %dma_wait3A_250 : memref<1x128xi32, #tpu.memory_space<vmem>> -> memref<128xi32, #tpu.memory_space<vmem>>
      %dma_wait3A_252 = arith.constant 0 : i32
      %dma_wait3A_253 = arith.constant 0 : i32
      %dma_wait3A_254 = tpu.memref_slice %arg2[%dma_wait3A_252, %dma_wait3A_253] : memref<10000x128xf32, #tpu.memory_space<hbm>> -> memref<10000x128xf32, #tpu.memory_space<hbm>>
      tpu.wait_indirect_dma semaphore(%arg17 : memref<!tpu.dma_semaphore, #tpu.memory_space<semaphore_mem>>) src(%dma_wait3A_254 : memref<10000x128xf32, #tpu.memory_space<hbm>>) dst(%arg12 : memref<128x128xf32, #tpu.memory_space<vmem>>)
      %dma_start3A_255 = arith.constant 0 : i32
      %dma_start3A_256 = tpu.memref_slice %arg10[%add3A_217, %dma_start3A_255] : memref<40x128xi32, #tpu.memory_space<vmem>> -> memref<1x128xi32, #tpu.memory_space<vmem>>
      %dma_start3A_257 = tpu.memref_squeeze %dma_start3A_256 : memref<1x128xi32, #tpu.memory_space<vmem>> -> memref<128xi32, #tpu.memory_space<vmem>>
      %dma_start3A_258 = arith.constant 0 : i32
      %dma_start3A_259 = arith.constant 0 : i32
      %dma_start3A_260 = tpu.memref_slice %arg14[%dma_start3A_258, %dma_start3A_259] : memref<10112x128xf32, #tpu.memory_space<vmem_shared>> -> memref<10112x128xf32, #tpu.memory_space<vmem_shared>>
      tpu.enqueue_indirect_dma source(%arg12 : memref<128x128xf32, #tpu.memory_space<vmem>>) target(%dma_start3A_260 : memref<10112x128xf32, #tpu.memory_space<vmem_shared>>) offsets(%dma_start3A_257 : memref<128xi32, #tpu.memory_space<vmem>>) semaphore(%arg19 : memref<!tpu.dma_semaphore, #tpu.memory_space<semaphore_mem>>) {add = true}
      %dma_start3A_261 = arith.constant 0 : i32
      %dma_start3A_262 = tpu.memref_slice %arg10[%add3A_217, %dma_start3A_261] : memref<40x128xi32, #tpu.memory_space<vmem>> -> memref<1x128xi32, #tpu.memory_space<vmem>>
      %dma_start3A_263 = tpu.memref_squeeze %dma_start3A_262 : memref<1x128xi32, #tpu.memory_space<vmem>> -> memref<128xi32, #tpu.memory_space<vmem>>
      %dma_start3A_264 = arith.constant 0 : i32
      %dma_start3A_265 = tpu.memref_slice %arg15[%dma_start3A_264] : memref<10112xf32, #tpu.memory_space<vmem_shared>> -> memref<10112xf32, #tpu.memory_space<vmem_shared>>
      tpu.enqueue_indirect_dma source(%arg13 : memref<128xf32, #tpu.memory_space<vmem>>) target(%dma_start3A_265 : memref<10112xf32, #tpu.memory_space<vmem_shared>>) offsets(%dma_start3A_263 : memref<128xi32, #tpu.memory_space<vmem>>) semaphore(%arg20 : memref<!tpu.dma_semaphore, #tpu.memory_space<semaphore_mem>>) {add = true}
    }
    %scan3A_105 = arith.constant 20 : i32
    %dma_wait3A_106 = arith.constant 0 : i32
    %dma_wait3A_107 = arith.constant 0 : i32
    %dma_wait3A_108 = tpu.memref_slice %arg10[%dma_wait3A_106, %dma_wait3A_107] : memref<40x128xi32, #tpu.memory_space<vmem>> -> memref<1x128xi32, #tpu.memory_space<vmem>>
    %dma_wait3A_109 = tpu.memref_squeeze %dma_wait3A_108 : memref<1x128xi32, #tpu.memory_space<vmem>> -> memref<128xi32, #tpu.memory_space<vmem>>
    %dma_wait3A_110 = arith.constant 0 : i32
    %dma_wait3A_111 = arith.constant 0 : i32
    %dma_wait3A_112 = tpu.memref_slice %arg14[%dma_wait3A_110, %dma_wait3A_111] : memref<10112x128xf32, #tpu.memory_space<vmem_shared>> -> memref<10112x128xf32, #tpu.memory_space<vmem_shared>>
    tpu.wait_indirect_dma semaphore(%arg18 : memref<!tpu.dma_semaphore, #tpu.memory_space<semaphore_mem>>) src(%arg11 : memref<128x128xf32, #tpu.memory_space<vmem>>) dst(%dma_wait3A_112 : memref<10112x128xf32, #tpu.memory_space<vmem_shared>>)
    %dma_wait3A_113 = arith.constant 0 : i32
    %dma_wait3A_114 = arith.constant 0 : i32
    %dma_wait3A_115 = tpu.memref_slice %arg10[%dma_wait3A_113, %dma_wait3A_114] : memref<40x128xi32, #tpu.memory_space<vmem>> -> memref<1x128xi32, #tpu.memory_space<vmem>>
    %dma_wait3A_116 = tpu.memref_squeeze %dma_wait3A_115 : memref<1x128xi32, #tpu.memory_space<vmem>> -> memref<128xi32, #tpu.memory_space<vmem>>
    %dma_wait3A_117 = arith.constant 0 : i32
    %dma_wait3A_118 = arith.constant 0 : i32
    %dma_wait3A_119 = tpu.memref_slice %arg14[%dma_wait3A_117, %dma_wait3A_118] : memref<10112x128xf32, #tpu.memory_space<vmem_shared>> -> memref<10112x128xf32, #tpu.memory_space<vmem_shared>>
    tpu.wait_indirect_dma semaphore(%arg19 : memref<!tpu.dma_semaphore, #tpu.memory_space<semaphore_mem>>) src(%arg12 : memref<128x128xf32, #tpu.memory_space<vmem>>) dst(%dma_wait3A_119 : memref<10112x128xf32, #tpu.memory_space<vmem_shared>>)
    %dma_wait3A_120 = arith.constant 0 : i32
    %dma_wait3A_121 = arith.constant 0 : i32
    %dma_wait3A_122 = tpu.memref_slice %arg11[%dma_wait3A_120, %dma_wait3A_121] : memref<128x128xf32, #tpu.memory_space<vmem>> -> memref<40x128xf32, #tpu.memory_space<vmem>>
    %dma_wait3A_123 = arith.constant 0 : i32
    %dma_wait3A_124 = arith.constant 0 : i32
    %dma_wait3A_125 = tpu.memref_slice %arg14[%dma_wait3A_123, %dma_wait3A_124] : memref<10112x128xf32, #tpu.memory_space<vmem_shared>> -> memref<40x128xf32, #tpu.memory_space<vmem_shared>>
    %dma_wait3A_126 = arith.constant 0 : i32
    %dma_wait3A_127 = arith.constant 0 : i32
    %dma_wait3A_128 = tpu.memref_slice %arg14[%dma_wait3A_126, %dma_wait3A_127] : memref<10112x128xf32, #tpu.memory_space<vmem_shared>> -> memref<40x128xf32, #tpu.memory_space<vmem_shared>>
    %dma_wait3A_129 = arith.constant 0 : i32
    %dma_wait3A_130 = arith.constant 0 : i32
    %dma_wait3A_131 = tpu.memref_slice %arg11[%dma_wait3A_129, %dma_wait3A_130] : memref<128x128xf32, #tpu.memory_space<vmem>> -> memref<40x128xf32, #tpu.memory_space<vmem>>
    tpu.wait_dma2 semaphore(%arg20 : memref<!tpu.dma_semaphore, #tpu.memory_space<semaphore_mem>>) src(%dma_wait3A_131 : memref<40x128xf32, #tpu.memory_space<vmem>>) dst(%dma_wait3A_128 : memref<40x128xf32, #tpu.memory_space<vmem_shared>>)
    %dma_start3A_132 = arith.constant 1 : i32
    %dma_start3A_133 = arith.constant 0 : i32
    %dma_start3A_134 = arith.constant 0 : i32
    %dma_start3A_135 = tpu.memref_slice %arg3[%add3A, %dma_start3A_132, %dma_start3A_133, %dma_start3A_134] : memref<32x2x40x128xi32, #tpu.memory_space<hbm>> -> memref<1x1x40x128xi32, #tpu.memory_space<hbm>>
    %dma_start3A_136 = tpu.memref_squeeze %dma_start3A_135 : memref<1x1x40x128xi32, #tpu.memory_space<hbm>> -> memref<40x128xi32, #tpu.memory_space<hbm>>
    %dma_start3A_137 = arith.constant 0 : i32
    %dma_start3A_138 = arith.constant 0 : i32
    %dma_start3A_139 = tpu.memref_slice %arg3[%add3A, %dma_start3A_132, %dma_start3A_137, %dma_start3A_138] : memref<32x2x40x128xi32, #tpu.memory_space<hbm>> -> memref<1x1x40x128xi32, #tpu.memory_space<hbm>>
    %dma_start3A_140 = tpu.memref_squeeze %dma_start3A_139 : memref<1x1x40x128xi32, #tpu.memory_space<hbm>> -> memref<40x128xi32, #tpu.memory_space<hbm>>
    tpu.enqueue_dma source(%dma_start3A_140 : memref<40x128xi32, #tpu.memory_space<hbm>>) target(%arg9 : memref<40x128xi32, #tpu.memory_space<vmem>>) target_semaphore(%arg16 : memref<!tpu.dma_semaphore, #tpu.memory_space<semaphore_mem>>)
    %dma_start3A_141 = arith.constant 1 : i32
    %dma_start3A_142 = arith.constant 0 : i32
    %dma_start3A_143 = arith.constant 0 : i32
    %dma_start3A_144 = tpu.memref_slice %arg4[%add3A, %dma_start3A_141, %dma_start3A_142, %dma_start3A_143] : memref<32x2x40x128xi32, #tpu.memory_space<hbm>> -> memref<1x1x40x128xi32, #tpu.memory_space<hbm>>
    %dma_start3A_145 = tpu.memref_squeeze %dma_start3A_144 : memref<1x1x40x128xi32, #tpu.memory_space<hbm>> -> memref<40x128xi32, #tpu.memory_space<hbm>>
    %dma_start3A_146 = arith.constant 0 : i32
    %dma_start3A_147 = arith.constant 0 : i32
    %dma_start3A_148 = tpu.memref_slice %arg4[%add3A, %dma_start3A_141, %dma_start3A_146, %dma_start3A_147] : memref<32x2x40x128xi32, #tpu.memory_space<hbm>> -> memref<1x1x40x128xi32, #tpu.memory_space<hbm>>
    %dma_start3A_149 = tpu.memref_squeeze %dma_start3A_148 : memref<1x1x40x128xi32, #tpu.memory_space<hbm>> -> memref<40x128xi32, #tpu.memory_space<hbm>>
    tpu.enqueue_dma source(%dma_start3A_149 : memref<40x128xi32, #tpu.memory_space<hbm>>) target(%arg10 : memref<40x128xi32, #tpu.memory_space<vmem>>) target_semaphore(%arg17 : memref<!tpu.dma_semaphore, #tpu.memory_space<semaphore_mem>>)
    %dma_wait3A_150 = arith.constant 1 : i32
    %dma_wait3A_151 = arith.constant 0 : i32
    %dma_wait3A_152 = arith.constant 0 : i32
    %dma_wait3A_153 = tpu.memref_slice %arg3[%add3A, %dma_wait3A_150, %dma_wait3A_151, %dma_wait3A_152] : memref<32x2x40x128xi32, #tpu.memory_space<hbm>> -> memref<1x1x40x128xi32, #tpu.memory_space<hbm>>
    %dma_wait3A_154 = tpu.memref_squeeze %dma_wait3A_153 : memref<1x1x40x128xi32, #tpu.memory_space<hbm>> -> memref<40x128xi32, #tpu.memory_space<hbm>>
    %dma_wait3A_155 = arith.constant 0 : i32
    %dma_wait3A_156 = arith.constant 0 : i32
    %dma_wait3A_157 = tpu.memref_slice %arg3[%add3A, %dma_wait3A_150, %dma_wait3A_155, %dma_wait3A_156] : memref<32x2x40x128xi32, #tpu.memory_space<hbm>> -> memref<1x1x40x128xi32, #tpu.memory_space<hbm>>
    %dma_wait3A_158 = tpu.memref_squeeze %dma_wait3A_157 : memref<1x1x40x128xi32, #tpu.memory_space<hbm>> -> memref<40x128xi32, #tpu.memory_space<hbm>>
    tpu.wait_dma2 semaphore(%arg16 : memref<!tpu.dma_semaphore, #tpu.memory_space<semaphore_mem>>) src(%dma_wait3A_158 : memref<40x128xi32, #tpu.memory_space<hbm>>) dst(%arg9 : memref<40x128xi32, #tpu.memory_space<vmem>>)
    %dma_wait3A_159 = arith.constant 1 : i32
    %dma_wait3A_160 = arith.constant 0 : i32
    %dma_wait3A_161 = arith.constant 0 : i32
    %dma_wait3A_162 = tpu.memref_slice %arg4[%add3A, %dma_wait3A_159, %dma_wait3A_160, %dma_wait3A_161] : memref<32x2x40x128xi32, #tpu.memory_space<hbm>> -> memref<1x1x40x128xi32, #tpu.memory_space<hbm>>
    %dma_wait3A_163 = tpu.memref_squeeze %dma_wait3A_162 : memref<1x1x40x128xi32, #tpu.memory_space<hbm>> -> memref<40x128xi32, #tpu.memory_space<hbm>>
    %dma_wait3A_164 = arith.constant 0 : i32
    %dma_wait3A_165 = arith.constant 0 : i32
    %dma_wait3A_166 = tpu.memref_slice %arg4[%add3A, %dma_wait3A_159, %dma_wait3A_164, %dma_wait3A_165] : memref<32x2x40x128xi32, #tpu.memory_space<hbm>> -> memref<1x1x40x128xi32, #tpu.memory_space<hbm>>
    %dma_wait3A_167 = tpu.memref_squeeze %dma_wait3A_166 : memref<1x1x40x128xi32, #tpu.memory_space<hbm>> -> memref<40x128xi32, #tpu.memory_space<hbm>>
    tpu.wait_dma2 semaphore(%arg17 : memref<!tpu.dma_semaphore, #tpu.memory_space<semaphore_mem>>) src(%dma_wait3A_167 : memref<40x128xi32, #tpu.memory_space<hbm>>) dst(%arg10 : memref<40x128xi32, #tpu.memory_space<vmem>>)
    %dma_start3A_168 = arith.constant 0 : i32
    %dma_start3A_169 = arith.constant 0 : i32
    %dma_start3A_170 = tpu.memref_slice %arg9[%dma_start3A_168, %dma_start3A_169] : memref<40x128xi32, #tpu.memory_space<vmem>> -> memref<1x128xi32, #tpu.memory_space<vmem>>
    %dma_start3A_171 = tpu.memref_squeeze %dma_start3A_170 : memref<1x128xi32, #tpu.memory_space<vmem>> -> memref<128xi32, #tpu.memory_space<vmem>>
    %dma_start3A_172 = arith.constant 0 : i32
    %dma_start3A_173 = arith.constant 0 : i32
    %dma_start3A_174 = tpu.memref_slice %arg2[%dma_start3A_172, %dma_start3A_173] : memref<10000x128xf32, #tpu.memory_space<hbm>> -> memref<10000x128xf32, #tpu.memory_space<hbm>>
    tpu.enqueue_indirect_dma source(%dma_start3A_174 : memref<10000x128xf32, #tpu.memory_space<hbm>>) target(%arg11 : memref<128x128xf32, #tpu.memory_space<vmem>>) offsets(%dma_start3A_171 : memref<128xi32, #tpu.memory_space<vmem>>) semaphore(%arg16 : memref<!tpu.dma_semaphore, #tpu.memory_space<semaphore_mem>>)
    %scan3A_175 = arith.constant 0 : i32
    %scan3A_176 = arith.constant 0 : i32
    %scan3A_177 = arith.constant 20 : i32
    %scan3A_178 = arith.addi %scan3A_176, %scan3A_177 : i32
    %scan3A_179 = arith.constant 1 : i32
    scf.for %scan3A_213 = %scan3A_176 to %scan3A_178 step %scan3A_179  : i32 {
      %mul3A_214 = arith.constant 2 : i32
      %mul3A_215 = arith.muli %mul3A_214, %scan3A_213 : i32
      %add3A_216 = arith.constant 1 : i32
      %add3A_217 = arith.addi %mul3A_215, %add3A_216 : i32
      %gt3A = arith.constant 0 : i32
      %gt3A_218 = arith.cmpi sgt, %scan3A_213, %gt3A : i32
      %convert_element_type3A_219 = arith.extui %gt3A_218 : i1 to i32
      %cond3A_220 = arith.constant 0 : i32
      %cond3A_221 = arith.cmpi ne, %convert_element_type3A_219, %cond3A_220 : i32
      scf.if %cond3A_221 {
        %dma_wait3A_266 = arith.constant 0 : i32
        %dma_wait3A_267 = tpu.memref_slice %arg10[%add3A_217, %dma_wait3A_266] : memref<40x128xi32, #tpu.memory_space<vmem>> -> memref<1x128xi32, #tpu.memory_space<vmem>>
        %dma_wait3A_268 = tpu.memref_squeeze %dma_wait3A_267 : memref<1x128xi32, #tpu.memory_space<vmem>> -> memref<128xi32, #tpu.memory_space<vmem>>
        %dma_wait3A_269 = arith.constant 0 : i32
        %dma_wait3A_270 = arith.constant 0 : i32
        %dma_wait3A_271 = tpu.memref_slice %arg14[%dma_wait3A_269, %dma_wait3A_270] : memref<10112x128xf32, #tpu.memory_space<vmem_shared>> -> memref<10112x128xf32, #tpu.memory_space<vmem_shared>>
        tpu.wait_indirect_dma semaphore(%arg19 : memref<!tpu.dma_semaphore, #tpu.memory_space<semaphore_mem>>) src(%arg12 : memref<128x128xf32, #tpu.memory_space<vmem>>) dst(%dma_wait3A_271 : memref<10112x128xf32, #tpu.memory_space<vmem_shared>>)
      } else {
      }
      %dma_start3A_222 = arith.constant 0 : i32
      %dma_start3A_223 = tpu.memref_slice %arg9[%add3A_217, %dma_start3A_222] : memref<40x128xi32, #tpu.memory_space<vmem>> -> memref<1x128xi32, #tpu.memory_space<vmem>>
      %dma_start3A_224 = tpu.memref_squeeze %dma_start3A_223 : memref<1x128xi32, #tpu.memory_space<vmem>> -> memref<128xi32, #tpu.memory_space<vmem>>
      %dma_start3A_225 = arith.constant 0 : i32
      %dma_start3A_226 = arith.constant 0 : i32
      %dma_start3A_227 = tpu.memref_slice %arg2[%dma_start3A_225, %dma_start3A_226] : memref<10000x128xf32, #tpu.memory_space<hbm>> -> memref<10000x128xf32, #tpu.memory_space<hbm>>
      tpu.enqueue_indirect_dma source(%dma_start3A_227 : memref<10000x128xf32, #tpu.memory_space<hbm>>) target(%arg12 : memref<128x128xf32, #tpu.memory_space<vmem>>) offsets(%dma_start3A_224 : memref<128xi32, #tpu.memory_space<vmem>>) semaphore(%arg17 : memref<!tpu.dma_semaphore, #tpu.memory_space<semaphore_mem>>)
      %dma_wait3A_228 = arith.constant 0 : i32
      %dma_wait3A_229 = tpu.memref_slice %arg9[%mul3A_215, %dma_wait3A_228] : memref<40x128xi32, #tpu.memory_space<vmem>> -> memref<1x128xi32, #tpu.memory_space<vmem>>
      %dma_wait3A_230 = tpu.memref_squeeze %dma_wait3A_229 : memref<1x128xi32, #tpu.memory_space<vmem>> -> memref<128xi32, #tpu.memory_space<vmem>>
      %dma_wait3A_231 = arith.constant 0 : i32
      %dma_wait3A_232 = arith.constant 0 : i32
      %dma_wait3A_233 = tpu.memref_slice %arg2[%dma_wait3A_231, %dma_wait3A_232] : memref<10000x128xf32, #tpu.memory_space<hbm>> -> memref<10000x128xf32, #tpu.memory_space<hbm>>
      tpu.wait_indirect_dma semaphore(%arg16 : memref<!tpu.dma_semaphore, #tpu.memory_space<semaphore_mem>>) src(%dma_wait3A_233 : memref<10000x128xf32, #tpu.memory_space<hbm>>) dst(%arg11 : memref<128x128xf32, #tpu.memory_space<vmem>>)
      %dma_start3A_234 = arith.constant 0 : i32
      %dma_start3A_235 = tpu.memref_slice %arg10[%mul3A_215, %dma_start3A_234] : memref<40x128xi32, #tpu.memory_space<vmem>> -> memref<1x128xi32, #tpu.memory_space<vmem>>
      %dma_start3A_236 = tpu.memref_squeeze %dma_start3A_235 : memref<1x128xi32, #tpu.memory_space<vmem>> -> memref<128xi32, #tpu.memory_space<vmem>>
      %dma_start3A_237 = arith.constant 0 : i32
      %dma_start3A_238 = arith.constant 0 : i32
      %dma_start3A_239 = tpu.memref_slice %arg14[%dma_start3A_237, %dma_start3A_238] : memref<10112x128xf32, #tpu.memory_space<vmem_shared>> -> memref<10112x128xf32, #tpu.memory_space<vmem_shared>>
      tpu.enqueue_indirect_dma source(%arg11 : memref<128x128xf32, #tpu.memory_space<vmem>>) target(%dma_start3A_239 : memref<10112x128xf32, #tpu.memory_space<vmem_shared>>) offsets(%dma_start3A_236 : memref<128xi32, #tpu.memory_space<vmem>>) semaphore(%arg18 : memref<!tpu.dma_semaphore, #tpu.memory_space<semaphore_mem>>) {add = true}
      %dma_start3A_240 = arith.constant 0 : i32
      %dma_start3A_241 = tpu.memref_slice %arg10[%mul3A_215, %dma_start3A_240] : memref<40x128xi32, #tpu.memory_space<vmem>> -> memref<1x128xi32, #tpu.memory_space<vmem>>
      %dma_start3A_242 = tpu.memref_squeeze %dma_start3A_241 : memref<1x128xi32, #tpu.memory_space<vmem>> -> memref<128xi32, #tpu.memory_space<vmem>>
      %dma_start3A_243 = arith.constant 0 : i32
      %dma_start3A_244 = tpu.memref_slice %arg15[%dma_start3A_243] : memref<10112xf32, #tpu.memory_space<vmem_shared>> -> memref<10112xf32, #tpu.memory_space<vmem_shared>>
      tpu.enqueue_indirect_dma source(%arg13 : memref<128xf32, #tpu.memory_space<vmem>>) target(%dma_start3A_244 : memref<10112xf32, #tpu.memory_space<vmem_shared>>) offsets(%dma_start3A_242 : memref<128xi32, #tpu.memory_space<vmem>>) semaphore(%arg20 : memref<!tpu.dma_semaphore, #tpu.memory_space<semaphore_mem>>) {add = true}
      %lt3A = arith.constant 19 : i32
      %lt3A_245 = arith.cmpi slt, %scan3A_213, %lt3A : i32
      %convert_element_type3A_246 = arith.extui %lt3A_245 : i1 to i32
      %cond3A_247 = arith.constant 0 : i32
      %cond3A_248 = arith.cmpi ne, %convert_element_type3A_246, %cond3A_247 : i32
      scf.if %cond3A_248 {
        %dma_wait3A_266 = arith.constant 0 : i32
        %dma_wait3A_267 = tpu.memref_slice %arg10[%mul3A_215, %dma_wait3A_266] : memref<40x128xi32, #tpu.memory_space<vmem>> -> memref<1x128xi32, #tpu.memory_space<vmem>>
        %dma_wait3A_268 = tpu.memref_squeeze %dma_wait3A_267 : memref<1x128xi32, #tpu.memory_space<vmem>> -> memref<128xi32, #tpu.memory_space<vmem>>
        %dma_wait3A_269 = arith.constant 0 : i32
        %dma_wait3A_270 = arith.constant 0 : i32
        %dma_wait3A_271 = tpu.memref_slice %arg14[%dma_wait3A_269, %dma_wait3A_270] : memref<10112x128xf32, #tpu.memory_space<vmem_shared>> -> memref<10112x128xf32, #tpu.memory_space<vmem_shared>>
        tpu.wait_indirect_dma semaphore(%arg18 : memref<!tpu.dma_semaphore, #tpu.memory_space<semaphore_mem>>) src(%arg11 : memref<128x128xf32, #tpu.memory_space<vmem>>) dst(%dma_wait3A_271 : memref<10112x128xf32, #tpu.memory_space<vmem_shared>>)
        %add3A_272 = arith.constant 2 : i32
        %add3A_273 = arith.addi %mul3A_215, %add3A_272 : i32
        %dma_start3A_274 = arith.constant 0 : i32
        %dma_start3A_275 = tpu.memref_slice %arg9[%add3A_273, %dma_start3A_274] : memref<40x128xi32, #tpu.memory_space<vmem>> -> memref<1x128xi32, #tpu.memory_space<vmem>>
        %dma_start3A_276 = tpu.memref_squeeze %dma_start3A_275 : memref<1x128xi32, #tpu.memory_space<vmem>> -> memref<128xi32, #tpu.memory_space<vmem>>
        %dma_start3A_277 = arith.constant 0 : i32
        %dma_start3A_278 = arith.constant 0 : i32
        %dma_start3A_279 = tpu.memref_slice %arg2[%dma_start3A_277, %dma_start3A_278] : memref<10000x128xf32, #tpu.memory_space<hbm>> -> memref<10000x128xf32, #tpu.memory_space<hbm>>
        tpu.enqueue_indirect_dma source(%dma_start3A_279 : memref<10000x128xf32, #tpu.memory_space<hbm>>) target(%arg11 : memref<128x128xf32, #tpu.memory_space<vmem>>) offsets(%dma_start3A_276 : memref<128xi32, #tpu.memory_space<vmem>>) semaphore(%arg16 : memref<!tpu.dma_semaphore, #tpu.memory_space<semaphore_mem>>)
      } else {
      }
      %dma_wait3A_249 = arith.constant 0 : i32
      %dma_wait3A_250 = tpu.memref_slice %arg9[%add3A_217, %dma_wait3A_249] : memref<40x128xi32, #tpu.memory_space<vmem>> -> memref<1x128xi32, #tpu.memory_space<vmem>>
      %dma_wait3A_251 = tpu.memref_squeeze %dma_wait3A_250 : memref<1x128xi32, #tpu.memory_space<vmem>> -> memref<128xi32, #tpu.memory_space<vmem>>
      %dma_wait3A_252 = arith.constant 0 : i32
      %dma_wait3A_253 = arith.constant 0 : i32
      %dma_wait3A_254 = tpu.memref_slice %arg2[%dma_wait3A_252, %dma_wait3A_253] : memref<10000x128xf32, #tpu.memory_space<hbm>> -> memref<10000x128xf32, #tpu.memory_space<hbm>>
      tpu.wait_indirect_dma semaphore(%arg17 : memref<!tpu.dma_semaphore, #tpu.memory_space<semaphore_mem>>) src(%dma_wait3A_254 : memref<10000x128xf32, #tpu.memory_space<hbm>>) dst(%arg12 : memref<128x128xf32, #tpu.memory_space<vmem>>)
      %dma_start3A_255 = arith.constant 0 : i32
      %dma_start3A_256 = tpu.memref_slice %arg10[%add3A_217, %dma_start3A_255] : memref<40x128xi32, #tpu.memory_space<vmem>> -> memref<1x128xi32, #tpu.memory_space<vmem>>
      %dma_start3A_257 = tpu.memref_squeeze %dma_start3A_256 : memref<1x128xi32, #tpu.memory_space<vmem>> -> memref<128xi32, #tpu.memory_space<vmem>>
      %dma_start3A_258 = arith.constant 0 : i32
      %dma_start3A_259 = arith.constant 0 : i32
      %dma_start3A_260 = tpu.memref_slice %arg14[%dma_start3A_258, %dma_start3A_259] : memref<10112x128xf32, #tpu.memory_space<vmem_shared>> -> memref<10112x128xf32, #tpu.memory_space<vmem_shared>>
      tpu.enqueue_indirect_dma source(%arg12 : memref<128x128xf32, #tpu.memory_space<vmem>>) target(%dma_start3A_260 : memref<10112x128xf32, #tpu.memory_space<vmem_shared>>) offsets(%dma_start3A_257 : memref<128xi32, #tpu.memory_space<vmem>>) semaphore(%arg19 : memref<!tpu.dma_semaphore, #tpu.memory_space<semaphore_mem>>) {add = true}
      %dma_start3A_261 = arith.constant 0 : i32
      %dma_start3A_262 = tpu.memref_slice %arg10[%add3A_217, %dma_start3A_261] : memref<40x128xi32, #tpu.memory_space<vmem>> -> memref<1x128xi32, #tpu.memory_space<vmem>>
      %dma_start3A_263 = tpu.memref_squeeze %dma_start3A_262 : memref<1x128xi32, #tpu.memory_space<vmem>> -> memref<128xi32, #tpu.memory_space<vmem>>
      %dma_start3A_264 = arith.constant 0 : i32
      %dma_start3A_265 = tpu.memref_slice %arg15[%dma_start3A_264] : memref<10112xf32, #tpu.memory_space<vmem_shared>> -> memref<10112xf32, #tpu.memory_space<vmem_shared>>
      tpu.enqueue_indirect_dma source(%arg13 : memref<128xf32, #tpu.memory_space<vmem>>) target(%dma_start3A_265 : memref<10112xf32, #tpu.memory_space<vmem_shared>>) offsets(%dma_start3A_263 : memref<128xi32, #tpu.memory_space<vmem>>) semaphore(%arg20 : memref<!tpu.dma_semaphore, #tpu.memory_space<semaphore_mem>>) {add = true}
    }
    %scan3A_180 = arith.constant 20 : i32
    %dma_wait3A_181 = arith.constant 0 : i32
    %dma_wait3A_182 = arith.constant 0 : i32
    %dma_wait3A_183 = tpu.memref_slice %arg10[%dma_wait3A_181, %dma_wait3A_182] : memref<40x128xi32, #tpu.memory_space<vmem>> -> memref<1x128xi32, #tpu.memory_space<vmem>>
    %dma_wait3A_184 = tpu.memref_squeeze %dma_wait3A_183 : memref<1x128xi32, #tpu.memory_space<vmem>> -> memref<128xi32, #tpu.memory_space<vmem>>
    %dma_wait3A_185 = arith.constant 0 : i32
    %dma_wait3A_186 = arith.constant 0 : i32
    %dma_wait3A_187 = tpu.memref_slice %arg14[%dma_wait3A_185, %dma_wait3A_186] : memref<10112x128xf32, #tpu.memory_space<vmem_shared>> -> memref<10112x128xf32, #tpu.memory_space<vmem_shared>>
    tpu.wait_indirect_dma semaphore(%arg18 : memref<!tpu.dma_semaphore, #tpu.memory_space<semaphore_mem>>) src(%arg11 : memref<128x128xf32, #tpu.memory_space<vmem>>) dst(%dma_wait3A_187 : memref<10112x128xf32, #tpu.memory_space<vmem_shared>>)
    %dma_wait3A_188 = arith.constant 0 : i32
    %dma_wait3A_189 = arith.constant 0 : i32
    %dma_wait3A_190 = tpu.memref_slice %arg10[%dma_wait3A_188, %dma_wait3A_189] : memref<40x128xi32, #tpu.memory_space<vmem>> -> memref<1x128xi32, #tpu.memory_space<vmem>>
    %dma_wait3A_191 = tpu.memref_squeeze %dma_wait3A_190 : memref<1x128xi32, #tpu.memory_space<vmem>> -> memref<128xi32, #tpu.memory_space<vmem>>
    %dma_wait3A_192 = arith.constant 0 : i32
    %dma_wait3A_193 = arith.constant 0 : i32
    %dma_wait3A_194 = tpu.memref_slice %arg14[%dma_wait3A_192, %dma_wait3A_193] : memref<10112x128xf32, #tpu.memory_space<vmem_shared>> -> memref<10112x128xf32, #tpu.memory_space<vmem_shared>>
    tpu.wait_indirect_dma semaphore(%arg19 : memref<!tpu.dma_semaphore, #tpu.memory_space<semaphore_mem>>) src(%arg12 : memref<128x128xf32, #tpu.memory_space<vmem>>) dst(%dma_wait3A_194 : memref<10112x128xf32, #tpu.memory_space<vmem_shared>>)
    %dma_wait3A_195 = arith.constant 0 : i32
    %dma_wait3A_196 = arith.constant 0 : i32
    %dma_wait3A_197 = tpu.memref_slice %arg11[%dma_wait3A_195, %dma_wait3A_196] : memref<128x128xf32, #tpu.memory_space<vmem>> -> memref<40x128xf32, #tpu.memory_space<vmem>>
    %dma_wait3A_198 = arith.constant 0 : i32
    %dma_wait3A_199 = arith.constant 0 : i32
    %dma_wait3A_200 = tpu.memref_slice %arg14[%dma_wait3A_198, %dma_wait3A_199] : memref<10112x128xf32, #tpu.memory_space<vmem_shared>> -> memref<40x128xf32, #tpu.memory_space<vmem_shared>>
    %dma_wait3A_201 = arith.constant 0 : i32
    %dma_wait3A_202 = arith.constant 0 : i32
    %dma_wait3A_203 = tpu.memref_slice %arg14[%dma_wait3A_201, %dma_wait3A_202] : memref<10112x128xf32, #tpu.memory_space<vmem_shared>> -> memref<40x128xf32, #tpu.memory_space<vmem_shared>>
    %dma_wait3A_204 = arith.constant 0 : i32
    %dma_wait3A_205 = arith.constant 0 : i32
    %dma_wait3A_206 = tpu.memref_slice %arg11[%dma_wait3A_204, %dma_wait3A_205] : memref<128x128xf32, #tpu.memory_space<vmem>> -> memref<40x128xf32, #tpu.memory_space<vmem>>
    tpu.wait_dma2 semaphore(%arg20 : memref<!tpu.dma_semaphore, #tpu.memory_space<semaphore_mem>>) src(%dma_wait3A_206 : memref<40x128xf32, #tpu.memory_space<vmem>>) dst(%dma_wait3A_203 : memref<40x128xf32, #tpu.memory_space<vmem_shared>>)
    %barrier3A_207 = arith.constant 0 : index
    tpu.barrier barrier_id(%barrier3A_207)
    "tpu.region"() ({
      %run_scoped3A = tpu.sem_alloc : memref<!tpu.dma_semaphore, #tpu.memory_space<semaphore_mem>>
      %dma_start3A_213 = arith.constant 0 : i32
      %dma_start3A_214 = tpu.memref_slice %arg7[%arg0, %mul3A_48, %dma_start3A_213] : memref<2x10112x128xf32, #tpu.memory_space<hbm>> -> memref<1x632x128xf32, #tpu.memory_space<hbm>>
      %dma_start3A_215 = tpu.memref_squeeze %dma_start3A_214 : memref<1x632x128xf32, #tpu.memory_space<hbm>> -> memref<632x128xf32, #tpu.memory_space<hbm>>
      %dma_start3A_216 = arith.constant 0 : i32
      %dma_start3A_217 = tpu.memref_slice %arg14[%mul3A_48, %dma_start3A_216] : memref<10112x128xf32, #tpu.memory_space<vmem_shared>> -> memref<632x128xf32, #tpu.memory_space<vmem_shared>>
      tpu.enqueue_dma source(%dma_start3A_217 : memref<632x128xf32, #tpu.memory_space<vmem_shared>>) target(%dma_start3A_215 : memref<632x128xf32, #tpu.memory_space<hbm>>) target_semaphore(%run_scoped3A : memref<!tpu.dma_semaphore, #tpu.memory_space<semaphore_mem>>)
      %dma_wait3A_218 = arith.constant 0 : i32
      %dma_wait3A_219 = tpu.memref_slice %arg7[%arg0, %mul3A_48, %dma_wait3A_218] : memref<2x10112x128xf32, #tpu.memory_space<hbm>> -> memref<1x632x128xf32, #tpu.memory_space<hbm>>
      %dma_wait3A_220 = tpu.memref_squeeze %dma_wait3A_219 : memref<1x632x128xf32, #tpu.memory_space<hbm>> -> memref<632x128xf32, #tpu.memory_space<hbm>>
      %dma_wait3A_221 = arith.constant 0 : i32
      %dma_wait3A_222 = tpu.memref_slice %arg14[%mul3A_48, %dma_wait3A_221] : memref<10112x128xf32, #tpu.memory_space<vmem_shared>> -> memref<632x128xf32, #tpu.memory_space<vmem_shared>>
      tpu.wait_dma2 semaphore(%run_scoped3A : memref<!tpu.dma_semaphore, #tpu.memory_space<semaphore_mem>>) src(%dma_wait3A_222 : memref<632x128xf32, #tpu.memory_space<vmem_shared>>) dst(%dma_wait3A_220 : memref<632x128xf32, #tpu.memory_space<hbm>>)
      tpu.yield
    }) : () -> ()
    %eq3A_208 = arith.constant 0 : i32
    %eq3A_209 = arith.cmpi eq, %arg1, %eq3A_208 : i32
    %convert_element_type3A_210 = arith.extui %eq3A_209 : i1 to i32
    %cond3A_211 = arith.constant 0 : i32
    %cond3A_212 = arith.cmpi ne, %convert_element_type3A_210, %cond3A_211 : i32
    scf.if %cond3A_212 {
      %mul3A_213 = arith.constant 10112 : i32
      %mul3A_214 = arith.muli %arg0, %mul3A_213 : i32
      "tpu.region"() ({
        %run_scoped3A = tpu.sem_alloc : memref<!tpu.dma_semaphore, #tpu.memory_space<semaphore_mem>>
        %dma_start3A_215 = tpu.memref_slice %arg8[%mul3A_214] : memref<20224xf32, #tpu.memory_space<hbm>> -> memref<10112xf32, #tpu.memory_space<hbm>>
        tpu.enqueue_dma source(%arg15 : memref<10112xf32, #tpu.memory_space<vmem_shared>>) target(%dma_start3A_215 : memref<10112xf32, #tpu.memory_space<hbm>>) target_semaphore(%run_scoped3A : memref<!tpu.dma_semaphore, #tpu.memory_space<semaphore_mem>>)
        %dma_wait3A_216 = tpu.memref_slice %arg8[%mul3A_214] : memref<20224xf32, #tpu.memory_space<hbm>> -> memref<10112xf32, #tpu.memory_space<hbm>>
        tpu.wait_dma2 semaphore(%run_scoped3A : memref<!tpu.dma_semaphore, #tpu.memory_space<semaphore_mem>>) src(%arg15 : memref<10112xf32, #tpu.memory_space<vmem_shared>>) dst(%dma_wait3A_216 : memref<10112xf32, #tpu.memory_space<hbm>>)
        tpu.yield
      }) : () -> ()
    } else {
    }
    return
  }
}

module attributes {stable_mosaic.version = 14 : i64} {
  func.func @_tc_body(%arg0: i32, %arg1: memref<5000x128xf32, #tpu.memory_space<vmem>>, %arg2: memref<2x5000x128xf32, #tpu.memory_space<vmem>>, %arg3: memref<5000x2xf32, #tpu.memory_space<vmem>>, %arg4: memref<128x256xf32, #tpu.memory_space<vmem>>, %arg5: memref<1x128xf32, #tpu.memory_space<vmem>>, %arg6: memref<5000x128xf32, #tpu.memory_space<vmem>>) attributes {dimension_semantics = [#tpu.dimension_semantics<parallel>], iteration_bounds = array<i64: 2>, scalar_prefetch = 0 : i64, scratch_operands = 0 : i64, tpu.core_type = #tpu.core_type<tc>, window_params = [{transform_indices = @transform_0, window_bounds = array<i64: 5000, 128>}, {transform_indices = @transform_1, window_bounds = array<i64: 2, 5000, 128>}, {transform_indices = @transform_2, window_bounds = array<i64: 5000, 2>}, {pipeline_mode = #tpu.pipeline_mode<synchronous>, transform_indices = @transform_3, window_bounds = array<i64: 128, 256>}, {pipeline_mode = #tpu.pipeline_mode<synchronous>, transform_indices = @transform_4, window_bounds = array<i64: 1, 128>}, {transform_indices = @transform_5, window_bounds = array<i64: 5000, 128>}]} {
    %get3A = arith.constant 0 : index
    %get3A_0 = arith.constant 0 : index
    %get3A_1 = vector.load %arg1[%get3A, %get3A_0] : memref<5000x128xf32, #tpu.memory_space<vmem>>, vector<5000x128xf32>
    %get3A_2 = arith.constant 0 : index
    %get3A_3 = arith.constant 0 : index
    %get3A_4 = arith.constant 0 : index
    %get3A_5 = vector.load %arg2[%get3A_2, %get3A_3, %get3A_4] : memref<2x5000x128xf32, #tpu.memory_space<vmem>>, vector<1x5000x128xf32>
    %get3A_6 = vector.shape_cast %get3A_5 : vector<1x5000x128xf32> to vector<5000x128xf32>
    %get3A_7 = arith.constant 1 : index
    %get3A_8 = arith.constant 0 : index
    %get3A_9 = arith.constant 0 : index
    %get3A_10 = vector.load %arg2[%get3A_7, %get3A_8, %get3A_9] : memref<2x5000x128xf32, #tpu.memory_space<vmem>>, vector<1x5000x128xf32>
    %get3A_11 = vector.shape_cast %get3A_10 : vector<1x5000x128xf32> to vector<5000x128xf32>
    %add3A = arith.addf %get3A_6, %get3A_11 : vector<5000x128xf32>
    %get3A_12 = arith.constant 0 : index
    %get3A_13 = arith.constant 0 : index
    %get3A_14 = vector.load %arg3[%get3A_12, %get3A_13] : memref<5000x2xf32, #tpu.memory_space<vmem>>, vector<5000x1xf32>
    %get3A_15 = arith.constant 0 : index
    %get3A_16 = arith.constant 1 : index
    %get3A_17 = vector.load %arg3[%get3A_15, %get3A_16] : memref<5000x2xf32, #tpu.memory_space<vmem>>, vector<5000x1xf32>
    %add3A_18 = arith.addf %get3A_14, %get3A_17 : vector<5000x1xf32>
    %max3A = arith.constant 1.000000e+00 : f32
    %max3A_19 = vector.broadcast %max3A : f32 to vector<5000x1xf32>
    %max3A_20 = arith.maximumf %add3A_18, %max3A_19 : vector<5000x1xf32>
    %div3A = vector.broadcast %max3A_20 : vector<5000x1xf32> to vector<5000x128xf32>
    %div3A_21 = arith.divf %add3A, %div3A : vector<5000x128xf32>
    %get3A_22 = arith.constant 0 : index
    %get3A_23 = arith.constant 0 : index
    %get3A_24 = vector.load %arg4[%get3A_22, %get3A_23] : memref<128x256xf32, #tpu.memory_space<vmem>>, vector<128x128xf32>
    %dot_general3A = arith.constant dense<0.000000e+00> : vector<5000x128xf32>
    %dot_general3A_25 = tpu.matmul %get3A_1, %get3A_24, %dot_general3A {dimension_numbers = #tpu.dot_dimension_numbers<[1], [1], [0], [0], [0, 0, 1, 0], [], []>, transpose_lhs_hint = false} : vector<5000x128xf32>, vector<128x128xf32>, vector<5000x128xf32> -> vector<5000x128xf32>
    %get3A_26 = arith.constant 0 : index
    %get3A_27 = arith.constant 128 : index
    %get3A_28 = vector.load %arg4[%get3A_26, %get3A_27] : memref<128x256xf32, #tpu.memory_space<vmem>>, vector<128x128xf32>
    %dot_general3A_29 = arith.constant dense<0.000000e+00> : vector<5000x128xf32>
    %dot_general3A_30 = tpu.matmul %div3A_21, %get3A_28, %dot_general3A_29 {dimension_numbers = #tpu.dot_dimension_numbers<[1], [1], [0], [0], [0, 0, 1, 0], [], []>, transpose_lhs_hint = false} : vector<5000x128xf32>, vector<128x128xf32>, vector<5000x128xf32> -> vector<5000x128xf32>
    %add3A_31 = arith.addf %dot_general3A_25, %dot_general3A_30 : vector<5000x128xf32>
    %get3A_32 = arith.constant 0 : index
    %get3A_33 = arith.constant 0 : index
    %get3A_34 = vector.load %arg5[%get3A_32, %get3A_33] : memref<1x128xf32, #tpu.memory_space<vmem>>, vector<1x128xf32>
    %add3A_35 = vector.broadcast %get3A_34 : vector<1x128xf32> to vector<5000x128xf32>
    %add3A_36 = arith.addf %add3A_31, %add3A_35 : vector<5000x128xf32>
    %mul3A = arith.mulf %add3A_36, %add3A_36 : vector<5000x128xf32>
    %reduce_sum3A = arith.constant dense<0.000000e+00> : vector<5000xf32>
    %reduce_sum3A_37 = vector.multi_reduction <add>, %mul3A, %reduce_sum3A [1] : vector<5000x128xf32> to vector<5000xf32>
    %broadcast_in_dim3A = vector.shape_cast %reduce_sum3A_37 : vector<5000xf32> to vector<5000x1xf32>
    %sqrt3A = math.sqrt %broadcast_in_dim3A : vector<5000x1xf32>
    %max3A_38 = arith.constant 9.99999996E-13 : f32
    %max3A_39 = vector.broadcast %max3A_38 : f32 to vector<5000x1xf32>
    %max3A_40 = arith.maximumf %sqrt3A, %max3A_39 : vector<5000x1xf32>
    %div3A_41 = vector.broadcast %max3A_40 : vector<5000x1xf32> to vector<5000x128xf32>
    %div3A_42 = arith.divf %add3A_36, %div3A_41 : vector<5000x128xf32>
    %max3A_43 = arith.constant 0.000000e+00 : f32
    %max3A_44 = vector.broadcast %max3A_43 : f32 to vector<5000x128xf32>
    %max3A_45 = arith.maximumf %div3A_42, %max3A_44 : vector<5000x128xf32>
    %add3A_46 = arith.addf %get3A_1, %max3A_45 : vector<5000x128xf32>
    %swap3A = arith.constant 0 : index
    %swap3A_47 = arith.constant 0 : index
    %swap3A_48 = vector.load %arg6[%swap3A, %swap3A_47] : memref<5000x128xf32, #tpu.memory_space<vmem>>, vector<5000x128xf32>
    tpu.vector_store %arg6[%swap3A, %swap3A_47], %add3A_46 {strides = array<i32>} : memref<5000x128xf32, #tpu.memory_space<vmem>>, vector<5000x128xf32>,
    return
  }
  func.func @transform_0(%arg0: i32) -> (i32, i32) {
    %c0_i32 = arith.constant 0 : i32
    %c0_i32_0 = arith.constant 0 : i32
    return %arg0, %c0_i32 : i32, i32
  }
  func.func @transform_1(%arg0: i32) -> (i32, i32, i32) {
    %c0_i32 = arith.constant 0 : i32
    %c0_i32_0 = arith.constant 0 : i32
    %c0_i32_1 = arith.constant 0 : i32
    return %c0_i32, %arg0, %c0_i32_0 : i32, i32, i32
  }
  func.func @transform_2(%arg0: i32) -> (i32, i32) {
    %c0_i32 = arith.constant 0 : i32
    %c0_i32_0 = arith.constant 0 : i32
    return %arg0, %c0_i32 : i32, i32
  }
  func.func @transform_3(%arg0: i32) -> (i32, i32) {
    %c0_i32 = arith.constant 0 : i32
    %c0_i32_0 = arith.constant 0 : i32
    %c0_i32_1 = arith.constant 0 : i32
    return %c0_i32, %c0_i32_0 : i32, i32
  }
  func.func @transform_4(%arg0: i32) -> (i32, i32) {
    %c0_i32 = arith.constant 0 : i32
    %c0_i32_0 = arith.constant 0 : i32
    %c0_i32_1 = arith.constant 0 : i32
    return %c0_i32, %c0_i32_0 : i32, i32
  }
  func.func @transform_5(%arg0: i32) -> (i32, i32) {
    %c0_i32 = arith.constant 0 : i32
    %c0_i32_0 = arith.constant 0 : i32
    return %arg0, %c0_i32 : i32, i32
  }
}

</mosaic_0001>

<sc_bundles>
// kernel: kernel.4.cloned.1.call-start
scs
__scs_entry_jumppad:
0x0: {  	(pc) =	sbr.rel $0x88, $3  }
0x1: {  	(tag) =	ssettag $0x0;
	lr =	simm.s32 $0x1  }
0x2: {  	[smem:$0x3F9D] =	sst lr;
	_ =	strace $0xD0000000  }
0x3: {  	_ = 	snop  }
0x4: {  	_ = 	snop  }
0x5: {  	_ = 	snop  }
0x6: {  	_ = 	snop  }
0x7: {  	_ = 	snop  }
__scs_overlays_trampoline_lowered:
0x8: {  	[smem:$0x3FAC] =	sst s0  }
0x9: {  	[smem:$0x3FAD] =	sst s1  }
0xa: {  	[smem:$0x3FAE] =	sst s2  }
0xb: {  	[smem:$0x3FAF] =	sst s3  }
0xc: {  	[smem:$0x3FB0] =	sst s4  }
0xd: {  	[smem:$0x3FB1] =	sst s5  }
0xe: {  	[smem:$0x3FB2] =	sst s6  }
0xf: {  	[smem:$0x3FB3] =	sst s7  }
0x10: {  	[smem:$0x3FB4] =	sst s8  }
0x11: {  	[smem:$0x3FB5] =	sst s9;
	s0 =	simm.s32 @!p0 $0x0  }
0x12: {  	s1 =	sld [smem:$0x3F9B];
	s0 =	simm.s32 @p0 $0x1  }
0x13: {  	[smem:$0x3FB6] =	sst s0;
	s0 =	simm.s32 @!p1 $0x0  }
0x14: {  	s2 =	sld [smem:$0x3F9A];
	s0 =	simm.s32 @p1 $0x1  }
0x15: {  	[smem:$0x3FB7] =	sst s0;
	s0 =	simm.s32 @!p2 $0x0  }
0x16: {  	s3 =	sld [smem:$0x3FDB];
	s0 =	simm.s32 @p2 $0x1  }
0x17: {  	s4 =	simm.s32 $0x1BF5;
	[smem:$0x3FB9] =	sst s0  }
0x18: {  	s0 =	sld [smem:$0x3F9C];
	_ =	swait.ge [sflag:s4], $0x0  }
0x19: {  	s7 =	sld [smem:$0x3F9D]  }
0x1a: {  	s8 =	sadd.s32 $0xFFFFE003, lr  }
0x1b: {  	s9 =	sadd.s32 $0xFFFFFEF7, lr;
	s5 =	simm.s32 $0xFFFFFFFF;
	p2 =	slt.u32 s8, $0xFFFFF086  }
0x1c: {  	p1 =	slt.u32 s9, $0xF7A;
	s5 =	simm.s32 @!p2 $0x0  }
0x1d: {  	s5 =	simm.s32 @p1 $0x1;
	p0 =	seq.s32 s7, s2  }
0x1e: {  	s7 =	smul.u32 @!p0 $0xF7A, s2;
	p2 =	seq.s32 @!p0 s5, $0x0  }
0x1f: {  	s9 =	smul.u32 $0xF7A, s1;
	s8 =	simm.s32 @!p0 $0x1BF5;
	p2 =	por !p2, p0  }
0x20: {  	[sflag:s8] =	ssyncset.s32 @!p0 $0xFFFFF086;
	s6 =	sadd.s32 @!p0 s3, s7;
	s7 =	simm.s32 @!p0 $0x108  }
0x21: {  	s3 =	sadd.s32 s3, s9;
	s6 =	sadd.s32 @!p0 $0x88, s6;
	s7 =	simm.s32 @p2 $0x1082  }
0x22: {  	[simem:s7], [sflag:s8] =	dma.local @!p0 [hbm:s6], $0xF7A  }
0x23: {  	s9 =	sor.u32 $0xD0000000, s2;
	s6 =	simm.s32 $0x108;
	_ =	swait.ge @!p0 [sflag:s8], $0x0  }
0x24: {  	s3 =	sadd.s32 $0x88, s3;
	s6 =	simm.s32 @!p1 $0x1082;
	[sflag:s4] =	ssyncset.s32 $0xFFFFF086  }
0x25: {  	[simem:s6], [sflag:s4] =	dma.local [hbm:s3], $0xF7A  }
0x26: {  	[smem:$0x3F9D] =	sst s1;
	(tag) =	ssettag s2;
	_ =	strace s9  }
0x27: {  	s1 =	sld [smem:$0x3FAD]  }
0x28: {  	s2 =	sld [smem:$0x3FAE]  }
0x29: {  	s4 =	sld [smem:$0x3FB0]  }
0x2a: {  	p0 =	seq.s32 s5, $0x0;
	s5 =	sld [smem:$0x3FB1]  }
0x2b: {  	s6 =	sld [smem:$0x3FB2]  }
0x2c: {  	s7 =	sld [smem:$0x3FB3]  }
0x2d: {  	s3 =	simm.s32 $0x108;
	s8 =	sld [smem:$0x3FB4]  }
0x2e: {  	s3 =	simm.s32 @!p0 $0x1082;
	s9 =	sld [smem:$0x3FB5]  }
0x2f: {  	lr =	sadd.s32 s0, s3;
	s0 =	sld [smem:$0x3FAC]  }
0x30: {  	s3 =	sld [smem:$0x3FAF]  }
0x31: {  	[smem:$0x3FB8] =	sst s10  }
0x32: {  	s10 =	sld [smem:$0x3FB6];
	_ =	sdelay $0x3  }
0x33: {  	p0 =	seq.s32 s10, $0x1;
	s10 =	sld [smem:$0x3FB8];
	_ =	sdelay $0x3  }
0x34: {  	[smem:$0x3FB8] =	sst s10  }
0x35: {  	s10 =	sld [smem:$0x3FB7];
	_ =	sdelay $0x3  }
0x36: {  	p1 =	seq.s32 s10, $0x1;
	s10 =	sld [smem:$0x3FB8];
	_ =	sdelay $0x3  }
0x37: {  	[smem:$0x3FB8] =	sst s10  }
0x38: {  	s10 =	sld [smem:$0x3FB9]  }
0x39: {  	_ = 	snop;
	(pc) =	sbr.ind lr, $3  }
0x3a: {  	_ = 	snop  }
0x3b: {  	_ = 	snop  }
0x3c: {  	p2 =	seq.s32 s10, $0x1;
	s10 =	sld [smem:$0x3FB8]  }
0x3d: {  	_ =	shalt  }
0x3e: {  	_ =	shalt  }
0x3f: {  	_ =	shalt  }
0x40: {  	_ =	shalt  }
0x41: {  	_ =	shalt  }
0x42: {  	_ =	shalt  }
0x43: {  	_ =	shalt  }
0x44: {  	_ =	shalt  }
0x45: {  	_ =	shalt  }
0x46: {  	_ =	shalt  }
0x47: {  	_ =	shalt  }
0x48: {  	_ =	shalt  }
0x49: {  	_ =	shalt  }
0x4a: {  	_ =	shalt  }
0x4b: {  	_ =	shalt  }
0x4c: {  	_ =	shalt  }
0x4d: {  	_ =	shalt  }
0x4e: {  	_ =	shalt  }
0x4f: {  	_ =	shalt  }
0x50: {  	_ =	shalt  }
0x51: {  	_ =	shalt  }
0x52: {  	_ =	shalt  }
0x53: {  	_ =	shalt  }
0x54: {  	_ =	shalt  }
0x55: {  	_ =	shalt  }
0x56: {  	_ =	shalt  }
0x57: {  	_ =	shalt  }
0x58: {  	_ =	shalt  }
0x59: {  	_ =	shalt  }
0x5a: {  	_ =	shalt  }
0x5b: {  	_ =	shalt  }
0x5c: {  	_ =	shalt  }
0x5d: {  	_ =	shalt  }
0x5e: {  	_ =	shalt  }
0x5f: {  	_ =	shalt  }
0x60: {  	_ =	shalt  }
0x61: {  	_ =	shalt  }
0x62: {  	_ =	shalt  }
0x63: {  	_ =	shalt  }
0x64: {  	_ =	shalt  }
0x65: {  	_ =	shalt  }
0x66: {  	_ =	shalt  }
0x67: {  	_ =	shalt  }
0x68: {  	_ =	shalt  }
0x69: {  	_ =	shalt  }
0x6a: {  	_ =	shalt  }
0x6b: {  	_ =	shalt  }
0x6c: {  	_ =	shalt  }
0x6d: {  	_ =	shalt  }
0x6e: {  	_ =	shalt  }
0x6f: {  	_ =	shalt  }
0x70: {  	_ =	shalt  }
0x71: {  	_ =	shalt  }
0x72: {  	_ =	shalt  }
0x73: {  	_ =	shalt  }
0x74: {  	_ =	shalt  }
0x75: {  	_ =	shalt  }
0x76: {  	_ =	shalt  }
0x77: {  	_ =	shalt  }
0x78: {  	_ =	shalt  }
0x79: {  	_ =	shalt  }
0x7a: {  	_ =	shalt  }
0x7b: {  	_ =	shalt  }
0x7c: {  	_ =	shalt  }
0x7d: {  	_ =	shalt  }
0x7e: {  	_ =	shalt  }
0x7f: {  	_ =	shalt  }
0x80: {  	_ =	shalt  }
0x81: {  	_ =	shalt  }
0x82: {  	_ =	shalt  }
0x83: {  	_ =	shalt  }
0x84: {  	_ =	shalt  }
0x85: {  	_ =	shalt  }
0x86: {  	_ =	shalt  }
0x87: {  	_ =	shalt  }
.Lfunc_end0:
.L_simem_size_0:
called_computation_lowered:
.L_overlay_start_0:
0x88: {  	s2 =	sld [smem:$0x3FD9]  }
0x89: {  	s3 =	sld [smem:$0x3FFE];
	_ =	sdelay $0x1  }
0x8a: {  	s1 =	srdreg.scid  }
0x8b: {  	s0 =	sand.u32 $0x1, s1  }
0x8c: {  	s17 =	sshll.u32 s0, $0xA;
	s2 =	sadd.s32 s3, s2  }
0x8d: {  	s2 =	sadd.s32 s2, s17  }
0x8e: {  	[smem:$0x3FC4] =	sst s2  }
0x8f: {  	_ = 	snop  }
0x90: {  	s2 =	sld [smem:$0x3FC9]  }
0x91: {  	s18 =	sld [smem:$0x3FD0];
	(tm) =	ssettm $0x1  }
0x92: {  	s4 =	sld [smem:$0x3FFB];
	_ =	sdelay $0x3  }
0x93: {  	_ =	strace s4  }
0x94: {  	s4 =	sld [smem:$0x3FFC];
	_ =	sdelay $0x3  }
0x95: {  	_ =	strace s4  }
0x96: {  	s4 =	sld [smem:$0x3FFD];
	_ =	sdelay $0x3  }
0x97: {  	_ =	strace s4  }
0x98: {  	_ =	strace $0x8FFFFFFF  }
0x99: {  	s19 =	sld [smem:$0x3FDB];
	_ =	sdelay $0x1  }
0x9a: {  	s5 =	simm.s32 $_scs_section_size  }
0x9b: {  	s6 =	simm.s32 $_size__tile_overlayer_lowered;
	s7 =	simm.s32 $_tile_overlayer_lowered  }
0x9c: {  	s22 =	simm.s32 $0x1BFF;
	s21 =	sshll.u32 s7, $0x1;
	s4 =	sadd.s32 s5, s19  }
0x9d: {  	s8 =	simm.s32 $0x0;
	s20 =	sshll.u32 s6, $0x1;
	s6 =	sadd.s32 s21, s4  }
0x9e: {  	[timem:s8], [sflag:s22] =	dma.local [hbm:s6], s20  }
0x9f: {  	_ =	swait.ge [sflag:s22], s20  }
0xa0: {  	s5 =	ssub.s32 $0x0, s20;
	[sflag:s22] =	ssyncset.done $0x0  }
0xa1: {  	[sflag:s22] =	ssyncadd.s32 s5;
	_ =	sdelay $0x1  }
0xa2: {  	s23 =	simm.s32 $0x1B8B  }
0xa3: {  	_ =	swait.ge [sflag:s23], $0x1  }
0xa4: {  	[sflag:s23] =	ssyncset.done $0x0  }
0xa5: {  	s25 =	simm.s32 $0x1B8E;
	s24 =	sld [smem:$0x3FFE];
	[sflag:s23] =	ssyncadd.s32 $0xFFFFFFFF  }
0xa6: {  	s26 =	simm.s32 $execute0_lowered;
	[smem:$0x3FD2] =	sst s25  }
0xa7: {  	s6 =	sshll.u32 s26, $0x1;
	_ =	strace $0x80000046;
	[dreg:$0x1] =	wrdreg $0xFFFFFFFF  }
0xa8: {  	s28 =	simm.s32 $_size_execute0_lowered;
	s4 =	sadd.s32 s4, s6;
	[dreg:$0x0] =	wrdreg $0x0  }
0xa9: {  	s6 =	sshll.u32 s28, $0x1;
	[dreg:$0x2] =	wrdreg s4  }
0xaa: {  	[dreg:$0x3] =	wrdreg s6  }
0xab: {  	[dreg:$0x4] =	wrdreg $0xC0  }
0xac: {  	_ =	task [dreg:s8], $0x5FFFF  }
0xad: {  	[dreg:$0x1] =	wrdreg $0xFFFFFFFF  }
0xae: {  	[dreg:$0x0] =	wrdreg $0x60  }
0xaf: {  	[dreg:$0x2] =	wrdreg s2  }
0xb0: {  	[dreg:$0x3] =	wrdreg s18  }
0xb1: {  	[dreg:$0x4] =	wrdreg s24  }
0xb2: {  	[dreg:$0x5] =	wrdreg $0xA8800  }
0xb3: {  	[dreg:$0x6] =	wrdreg $0x1E4800  }
0xb4: {  	[dreg:$0x7] =	wrdreg $0x9  }
0xb5: {  	_ =	task.clear_ibuf [dreg:s8], $0x8FFFF;
	_ =	strace $0x90000046  }
0xb6: {  	s29 =	simm.s32 $0x9;
	_ =	strace $0x80000048  }
0xb7: {  	_ =	swait.ge [sflag:s29], $0x1  }
0xb8: {  	[sflag:s29] =	ssyncadd.s32 $0xFFFFFFFF  }
0xb9: {  	_ =	strace $0x90000048  }
0xba: {  	_ =	sfence  }
0xbb: {  	s30 =	sld [smem:$0x0];
	_ =	sdelay $0x2  }
0xbc: {  	s31 =	sshll.u32 s1, $0xD;
	s1 =	sshrl.u32 s1, $0x2  }
0xbd: {  	s3 =	sand.u32 $0x4000, s31;
	s1 =	sadd.s32 s1, s30  }
0xbe: {  	s0 =	sor.u32 s3, s0;
	s1 =	sshll.u32 s1, $0x11  }
0xbf: {  	s0 =	sor.u32 s1, s0  }
0xc0: {  	s0 =	sadd.s32 $0x8F2B, s0  }
0xc1: {  	[sflag:s0] =	ssyncadd.remote.s32 $0x1  }
0xc2: {  	_ =	sfence.sel $0xFFFF  }
0xc3: {  	[dreg:$0x0] =	wrdreg $0xFFFFFFFF;
	(pc) =	sbr.abs _section_cstart, $3  }
0xc4: {  	[dreg:$0x1] =	wrdreg $0xFFFFFFFF  }
0xc5: {  	_ =	task.clear_ibuf [dreg:s8], $0x2FFFF;
	_ =	strace $0x9FFFFFFF  }
0xc6: {  	(tm) =	ssettm $0x7FFFFFFF  }
0xc7: {  	_ =	shalt  }
tec
execute0_lowered:
.L_overlay_start_1:
0x0: {  	(tag) =	ssettag $0x1  }
0x1: {  	s1 =	rddreg [dreg:$0x0]  }
0x2: {  	s0 =	rddreg [dreg:$0x1]  }
0x3: {  	s5 =	rddreg [dreg:$0x2]  }
0x4: {  	s2 =	rddreg [dreg:$0x3]  }
0x5: {  	s3 =	rddreg [dreg:$0x4];
	s4 =	simm.s32 $0x0;
	s6 =	srdreg.scid  }
0x6: {  	s8 =	stileid.u32;
	s18 =	simm.s32 $0x1400;
	s28 =	simm.s32 $0x1480  }
0x7: {  	s29 =	simm.s32 $0x4;
	s30 =	simm.s32 $0x1380;
	s31 =	simm.s32 $0x2700  }
0x8: {  	[smem:$0x7FF] =	sst s4;
	s6 =	sand.u32 $0x1, s6;
	s9 =	smul.u32 $0x13C00, s8  }
0x9: {  	s10 =	sadd.s32 $0xE00, s5;
	s11 =	sadd.s32 $0xB400, s5;
	s19 =	sadd.s32 $0xAE00, s5  }
0xa: {  	s21 =	sshll.u32 s8, $0x1;
	s22 =	smul.u32 $0x4F000, s8;
	p0 =	sne.s32 s8, $0x0  }
0xb: {  	s7 =	smul.u32 $0x13C000, s6;
	_ =	strace $0x80000047;
	[dreg:$0x6] =	wrdreg s11  }
0xc: {  	[dreg:$0x7] =	wrdreg s19;
	s20 =	smul.u32 $0x4F0, s6;
	s12 =	ssub.s32 $0x2, s6  }
0xd: {  	s6 =	sor.u32 s6, s21;
	s17 =	sshrl.u32 @!p0 s3, $0x3;
	s19 =	simm.s32 $0x1  }
0xe: {  	s21 =	simm.s32 $0x80;
	s13 =	sshrl.u32 s12, $0x1;
	s6 =	smul.u32 $0x2800, s6  }
0xf: {  	s11 =	sshrl.u32 s22, $0x2;
	s22 =	simm.s32 $0x2800;
	s7 =	sadd.s32 s9, s7  }
0x10: {  	s23 =	ssub.s32 s12, s13;
	s16 =	sadd.s32 s11, s2;
	s7 =	sshrl.u32 s7, $0x3  }
0x11: {  	s6 =	sshrl.u32 s6, $0x3;
	s15 =	smax.u32 s23, $0x1;
	s16 =	sshrl.u32 s16, $0x3  }
0x12: {  	s23 =	simm.s32 $0x6800;
	s14 =	sadd.s32 s7, s5;
	s5 =	sadd.s32 s20, s5  }
0x13: {  	s7 =	sshll.u32 s8, $0x6;
	s25 =	sadd.s32 $0x280, s6;
	s26 =	sadd.s32 s0, s6  }
0x14: {  	s6 =	sadd.s32 s10, s6;
	s20 =	simm.s32 $0x2;
	[dreg:$0x9] =	wrdreg s26  }
0x15: {  	s8 =	simm.s32 $0x0;
	s24 =	sor.u32 $0x1C03, s7;
	[dreg:$0xa] =	wrdreg s6  }
0x16: {  	s0 =	sadd.s32 s0, s25;
	s12 =	sadd.s32 s10, s25;
	s13 =	sadd.s32 $0xE600, s14  }
0x17: {  	s14 =	sadd.s32 $0xDC00, s5;
	s25 =	simm.s32 $0x3;
	s26 =	simm.s32 $0x100  }
0x18: {  	s5 =	simm.s32 $0x5;
	s6 =	simm.s32 $0x6;
	[dreg:$0x8] =	wrdreg s24  }
0x19: {  	v0 =	vimm.f32 $1.000000000e+00;
	[dreg:$0xb] =	wrdreg s0;
	s24 =	simm.s32 $0xA800;
	s0 =	simm.s32 $0x2780  }
.LBB2_1:
0x1a: {  	[tilespmem:$0xA800] =	vst v0  }
0x1b: {  	[tilespmem:$0xA810] =	vst v0  }
0x1c: {  	[tilespmem:$0xA820] =	vst v0  }
0x1d: {  	[tilespmem:$0xA830] =	vst v0  }
0x1e: {  	[tilespmem:$0xA840] =	vst v0  }
0x1f: {  	[tilespmem:$0xA850] =	vst v0  }
0x20: {  	[tilespmem:$0xA860] =	vst v0;
	s9 =	rddreg [dreg:$0x6]  }
0x21: {  	[tilespmem:$0xA870] =	vst v0;
	s10 =	rddreg [dreg:$0x8]  }
0x22: {  	[spmem:s16], [sflag:s10] =	dma.local [hbm:s9], $0x2780  }
0x23: {  	s9 =	simm.s32 @p0 $0x3  }
0x24: {  	_ =	swait.ge @p0 [sflag:s9], $0x2780  }
0x25: {  	[sflag:s9] =	ssyncset.done @p0 $0x0  }
0x26: {  	s10 =	rddreg [dreg:$0x7];
	[sflag:s9] =	ssyncadd.s32 @p0 $0xFFFFD880;
	s9 =	simm.s32 @!p0 $0x1C04  }
0x27: {  	[spmem:s17], [sflag:s9] =	dma.local @!p0 [hbm:s10], $0x4F0  }
0x28: {  	s9 =	simm.s32 @!p0 $0x3  }
0x29: {  	_ =	swait.ge @!p0 [sflag:s9], $0x2780  }
0x2a: {  	[sflag:s9] =	ssyncset.done @!p0 $0x0  }
0x2b: {  	[sflag:s9] =	ssyncadd.s32 @!p0 $0xFFFFD880;
	s9 =	simm.s32 @!p0 $0x4  }
0x2c: {  	_ =	swait.ge @!p0 [sflag:s9], $0x4F0  }
0x2d: {  	[sflag:s9] =	ssyncset.done @!p0 $0x0  }
0x2e: {  	[sflag:s9] =	ssyncadd.s32 @!p0 $0xFFFFFB10  }
0x2f: {  	[bflag:$0x0] =	sbarrier.arrive $0xFFFF  }
0x30: {  	s11 =	rddreg [dreg:$0x9]  }
0x31: {  	[tilespmem:s4], [sflag:$0x1] =	stream.linear.gather [hbm4b:s11+s4], $0x1400, $0x38;
	[tilespmem:$0x1E6F8] =	vst v63  }
0x32: {  	s10 =	rddreg [dreg:$0xa]  }
0x33: {  	[tilespmem:s18], [sflag:$0x2] =	stream.linear.gather [hbm4b:s10+s4], $0x1400, $0x38;
	[tilespmem:$0x1E6F8] =	vst v63  }
0x34: {  	_ =	swait.ge [sflag:s19], $0x1400  }
0x35: {  	[sflag:s19] =	ssyncset.done $0x0  }
0x36: {  	[sflag:s19] =	ssyncadd.s32 $0xFFFFEC00  }
0x37: {  	_ =	swait.ge [sflag:s20], $0x1400  }
0x38: {  	[sflag:s20] =	ssyncset.done $0x0  }
0x39: {  	[sflag:s20] =	ssyncadd.s32 $0xFFFFEC00  }
0x3a: {  	[tilespmem:s22], [sflag:$0x1] =	stream.indirect.gather [hbm4b:s1+s21], $0x80, s4, s21, $0xb8;
	[tilespmem:$0x1E6F8] =	vst v63  }
0x3b: {  	_ = 	snop  }
0x3c: {  	[tilespmem:s23], [sflag:$0x2] =	stream.indirect.gather [hbm4b:s1+s21], $0x80, s21, s21, $0xb8;
	[tilespmem:$0x1E6F8] =	vst v63  }
0x3d: {  	_ =	swait.ge [sflag:s19], $0x4000  }
0x3e: {  	[sflag:s19] =	ssyncset.done $0x0  }
0x3f: {  	[sflag:s19] =	ssyncadd.s32 $0xFFFFC000  }
0x40: {  	[spmem:s2] =	stream.indirect.scatter.add.f32 [tilespmem:s22], [sflag:$0x3], $0x80, s18, s21, $0xb8;
	[tilespmem:$0x1E6F8] =	vst v63  }
0x41: {  	_ = 	snop  }
0x42: {  	[spmem:s3] =	stream.indirect.scatter.add.f32 [tilespmem:s24], [sflag:$0x5], $0x1, s18, s21, $0xb8;
	[tilespmem:$0x1E6F8] =	vst v63  }
0x43: {  	_ =	swait.ge [sflag:s25], $0x4000  }
0x44: {  	[sflag:s25] =	ssyncset.done $0x0  }
0x45: {  	[sflag:s25] =	ssyncadd.s32 $0xFFFFC000  }
0x46: {  	[tilespmem:s22], [sflag:$0x1] =	stream.indirect.gather [hbm4b:s1+s21], $0x80, s26, s21, $0xb8;
	[tilespmem:$0x1E6F8] =	vst v63  }
0x47: {  	_ =	swait.ge [sflag:s20], $0x4000  }
0x48: {  	[sflag:s20] =	ssyncset.done $0x0  }
0x49: {  	[sflag:s20] =	ssyncadd.s32 $0xFFFFC000  }
0x4a: {  	[spmem:s2] =	stream.indirect.scatter.add.f32 [tilespmem:s23], [sflag:$0x4], $0x80, s28, s21, $0xb8;
	[tilespmem:$0x1E6F8] =	vst v63  }
0x4b: {  	_ = 	snop  }
0x4c: {  	[spmem:s3] =	stream.indirect.scatter.add.f32 [tilespmem:s24], [sflag:$0x5], $0x1, s28, s21, $0xb8;
	[tilespmem:$0x1E6F8] =	vst v63  }
0x4d: {  	_ =	swait.ge [sflag:s29], $0x4000  }
0x4e: {  	[sflag:s29] =	ssyncset.done $0x0  }
0x4f: {  	s11 =	simm.s32 $0x180;
	[sflag:s29] =	ssyncadd.s32 $0xFFFFC000  }
0x50: {  	[tilespmem:s23], [sflag:$0x2] =	stream.indirect.gather [hbm4b:s1+s21], $0x80, s11, s21, $0xb8;
	[tilespmem:$0x1E6F8] =	vst v63  }
0x51: {  	_ =	swait.ge [sflag:s19], $0x4000  }
0x52: {  	[sflag:s19] =	ssyncset.done $0x0  }
0x53: {  	s10 =	simm.s32 $0x1500;
	[sflag:s19] =	ssyncadd.s32 $0xFFFFC000  }
0x54: {  	[spmem:s2] =	stream.indirect.scatter.add.f32 [tilespmem:s22], [sflag:$0x3], $0x80, s10, s21, $0xb8;
	[tilespmem:$0x1E6F8] =	vst v63  }
0x55: {  	_ = 	snop  }
0x56: {  	[spmem:s3] =	stream.indirect.scatter.add.f32 [tilespmem:s24], [sflag:$0x5], $0x1, s10, s21, $0xb8;
	[tilespmem:$0x1E6F8] =	vst v63  }
0x57: {  	_ =	swait.ge [sflag:s25], $0x4000  }
0x58: {  	[sflag:s25] =	ssyncset.done $0x0  }
0x59: {  	s11 =	simm.s32 $0x200;
	[sflag:s25] =	ssyncadd.s32 $0xFFFFC000  }
0x5a: {  	[tilespmem:s22], [sflag:$0x1] =	stream.indirect.gather [hbm4b:s1+s21], $0x80, s11, s21, $0xb8;
	[tilespmem:$0x1E6F8] =	vst v63  }
0x5b: {  	_ =	swait.ge [sflag:s20], $0x4000  }
0x5c: {  	[sflag:s20] =	ssyncset.done $0x0  }
0x5d: {  	s9 =	simm.s32 $0xFFFFBC00;
	s10 =	simm.s32 $0x1580;
	[sflag:s20] =	ssyncadd.s32 $0xFFFFC000  }
0x5e: {  	[spmem:s2] =	stream.indirect.scatter.add.f32 [tilespmem:s23], [sflag:$0x4], $0x80, s10, s21, $0xb8;
	[tilespmem:$0x1E6F8] =	vst v63  }
.LBB2_2:
0x5f: {  	[spmem:s3] =	stream.indirect.scatter.add.f32 [tilespmem:s24], [sflag:$0x5], $0x1, s10, s21, $0xb8;
	[tilespmem:$0x1E6F8] =	vst v63  }
0x60: {  	s10 =	smov.u32 s9  }
0x61: {  	p1 =	sne.s32 s9, $0xFFFFFC00;
	s9 =	sadd.s32 $0x400, s9;
	_ =	swait.ge [sflag:s29], $0x4000  }
0x62: {  	s10 =	sshra.s32 s10, $0x2;
	[sflag:s29] =	ssyncset.done $0x0  }
0x63: {  	s11 =	sadd.s32 $0x1380, s10;
	[sflag:s29] =	ssyncadd.s32 $0xFFFFC000  }
0x64: {  	[tilespmem:s23], [sflag:$0x2] =	stream.indirect.gather [hbm4b:s1+s21], $0x80, s11, s21, $0xb8;
	[tilespmem:$0x1E6F8] =	vst v63  }
0x65: {  	_ =	swait.ge [sflag:s19], $0x4000  }
0x66: {  	[sflag:s19] =	ssyncset.done $0x0  }
0x67: {  	s11 =	sadd.s32 $0x2700, s10;
	[sflag:s19] =	ssyncadd.s32 $0xFFFFC000  }
0x68: {  	[spmem:s2] =	stream.indirect.scatter.add.f32 [tilespmem:s22], [sflag:$0x3], $0x80, s11, s21, $0xb8;
	[tilespmem:$0x1E6F8] =	vst v63  }
0x69: {  	_ = 	snop  }
0x6a: {  	[spmem:s3] =	stream.indirect.scatter.add.f32 [tilespmem:s24], [sflag:$0x5], $0x1, s11, s21, $0xb8;
	[tilespmem:$0x1E6F8] =	vst v63  }
0x6b: {  	_ =	swait.ge [sflag:s25], $0x4000  }
0x6c: {  	[sflag:s25] =	ssyncset.done $0x0  }
0x6d: {  	s11 =	sadd.s32 $0x1400, s10;
	[sflag:s25] =	ssyncadd.s32 $0xFFFFC000  }
0x6e: {  	[tilespmem:s22], [sflag:$0x1] =	stream.indirect.gather [hbm4b:s1+s21], $0x80, s11, s21, $0xb8;
	[tilespmem:$0x1E6F8] =	vst v63  }
.Ltmp0:
0x6f: {  	_ = 	snop;
	(pc) =	sbr.rel @p1 .LBB2_2-.Ltmp0, $4  }
0x70: {  	_ =	swait.ge [sflag:s20], $0x4000  }
0x71: {  	[sflag:s20] =	ssyncset.done $0x0  }
0x72: {  	s10 =	sadd.s32 $0x2780, s10;
	[sflag:s20] =	ssyncadd.s32 $0xFFFFC000  }
0x73: {  	[spmem:s2] =	stream.indirect.scatter.add.f32 [tilespmem:s23], [sflag:$0x4], $0x80, s10, s21, $0xb8;
	[tilespmem:$0x1E6F8] =	vst v63  }
0x74: {  	[spmem:s3] =	stream.indirect.scatter.add.f32 [tilespmem:s24], [sflag:$0x5], $0x1, s10, s21, $0xb8;
	[tilespmem:$0x1E6F8] =	vst v63  }
0x75: {  	_ =	swait.ge [sflag:s29], $0x4000  }
0x76: {  	[sflag:s29] =	ssyncset.done $0x0  }
0x77: {  	[sflag:s29] =	ssyncadd.s32 $0xFFFFC000  }
0x78: {  	[tilespmem:s23], [sflag:$0x2] =	stream.indirect.gather [hbm4b:s1+s21], $0x80, s30, s21, $0xb8;
	[tilespmem:$0x1E6F8] =	vst v63  }
0x79: {  	_ =	swait.ge [sflag:s19], $0x4000  }
0x7a: {  	[sflag:s19] =	ssyncset.done $0x0  }
0x7b: {  	[sflag:s19] =	ssyncadd.s32 $0xFFFFC000  }
0x7c: {  	[spmem:s2] =	stream.indirect.scatter.add.f32 [tilespmem:s22], [sflag:$0x3], $0x80, s31, s21, $0xb8;
	[tilespmem:$0x1E6F8] =	vst v63  }
0x7d: {  	_ = 	snop  }
0x7e: {  	[spmem:s3] =	stream.indirect.scatter.add.f32 [tilespmem:s24], [sflag:$0x5], $0x1, s31, s21, $0xb8;
	[tilespmem:$0x1E6F8] =	vst v63  }
0x7f: {  	_ =	swait.ge [sflag:s20], $0x4000  }
0x80: {  	[sflag:s20] =	ssyncset.done $0x0  }
0x81: {  	[sflag:s20] =	ssyncadd.s32 $0xFFFFC000  }
0x82: {  	[spmem:s2] =	stream.indirect.scatter.add.f32 [tilespmem:s23], [sflag:$0x4], $0x80, s0, s21, $0xb8;
	[tilespmem:$0x1E6F8] =	vst v63  }
0x83: {  	_ = 	snop  }
0x84: {  	[spmem:s3] =	stream.indirect.scatter.add.f32 [tilespmem:s24], [sflag:$0x5], $0x1, s0, s21, $0xb8;
	[tilespmem:$0x1E6F8] =	vst v63  }
0x85: {  	_ =	swait.ge [sflag:s25], $0x4000  }
0x86: {  	[sflag:s25] =	ssyncset.done $0x0  }
0x87: {  	[sflag:s25] =	ssyncadd.s32 $0xFFFFC000  }
0x88: {  	_ =	swait.ge [sflag:s29], $0x4000  }
0x89: {  	[sflag:s29] =	ssyncset.done $0x0  }
0x8a: {  	[sflag:s29] =	ssyncadd.s32 $0xFFFFC000  }
0x8b: {  	_ =	swait.ge [sflag:s5], $0x1400  }
0x8c: {  	[sflag:s5] =	ssyncset.done $0x0  }
0x8d: {  	s9 =	rddreg [dreg:$0xb];
	[sflag:s5] =	ssyncadd.s32 $0xFFFFEC00  }
0x8e: {  	[tilespmem:s4], [sflag:$0x1] =	stream.linear.gather [hbm4b:s9+s4], $0x1400, $0x38;
	[tilespmem:$0x1E6F8] =	vst v63  }
0x8f: {  	_ = 	snop  }
0x90: {  	[tilespmem:s18], [sflag:$0x2] =	stream.linear.gather [hbm4b:s12+s4], $0x1400, $0x38;
	[tilespmem:$0x1E6F8] =	vst v63  }
0x91: {  	_ =	swait.ge [sflag:s19], $0x1400  }
0x92: {  	[sflag:s19] =	ssyncset.done $0x0  }
0x93: {  	[sflag:s19] =	ssyncadd.s32 $0xFFFFEC00  }
0x94: {  	_ =	swait.ge [sflag:s20], $0x1400  }
0x95: {  	[sflag:s20] =	ssyncset.done $0x0  }
0x96: {  	[sflag:s20] =	ssyncadd.s32 $0xFFFFEC00  }
0x97: {  	[tilespmem:s22], [sflag:$0x1] =	stream.indirect.gather [hbm4b:s1+s21], $0x80, s4, s21, $0xb8;
	[tilespmem:$0x1E6F8] =	vst v63  }
0x98: {  	_ = 	snop  }
0x99: {  	[tilespmem:s23], [sflag:$0x2] =	stream.indirect.gather [hbm4b:s1+s21], $0x80, s21, s21, $0xb8;
	[tilespmem:$0x1E6F8] =	vst v63  }
0x9a: {  	_ =	swait.ge [sflag:s19], $0x4000  }
0x9b: {  	[sflag:s19] =	ssyncset.done $0x0  }
0x9c: {  	[sflag:s19] =	ssyncadd.s32 $0xFFFFC000  }
0x9d: {  	[spmem:s2] =	stream.indirect.scatter.add.f32 [tilespmem:s22], [sflag:$0x3], $0x80, s18, s21, $0xb8;
	[tilespmem:$0x1E6F8] =	vst v63  }
0x9e: {  	_ = 	snop  }
0x9f: {  	[spmem:s3] =	stream.indirect.scatter.add.f32 [tilespmem:s24], [sflag:$0x5], $0x1, s18, s21, $0xb8;
	[tilespmem:$0x1E6F8] =	vst v63  }
0xa0: {  	_ =	swait.ge [sflag:s25], $0x4000  }
0xa1: {  	[sflag:s25] =	ssyncset.done $0x0  }
0xa2: {  	[sflag:s25] =	ssyncadd.s32 $0xFFFFC000  }
0xa3: {  	[tilespmem:s22], [sflag:$0x1] =	stream.indirect.gather [hbm4b:s1+s21], $0x80, s26, s21, $0xb8;
	[tilespmem:$0x1E6F8] =	vst v63  }
0xa4: {  	_ =	swait.ge [sflag:s20], $0x4000  }
0xa5: {  	[sflag:s20] =	ssyncset.done $0x0  }
0xa6: {  	[sflag:s20] =	ssyncadd.s32 $0xFFFFC000  }
0xa7: {  	[spmem:s2] =	stream.indirect.scatter.add.f32 [tilespmem:s23], [sflag:$0x4], $0x80, s28, s21, $0xb8;
	[tilespmem:$0x1E6F8] =	vst v63  }
0xa8: {  	_ = 	snop  }
0xa9: {  	[spmem:s3] =	stream.indirect.scatter.add.f32 [tilespmem:s24], [sflag:$0x5], $0x1, s28, s21, $0xb8;
	[tilespmem:$0x1E6F8] =	vst v63  }
0xaa: {  	_ =	swait.ge [sflag:s29], $0x4000  }
0xab: {  	[sflag:s29] =	ssyncset.done $0x0  }
0xac: {  	s11 =	simm.s32 $0x180;
	[sflag:s29] =	ssyncadd.s32 $0xFFFFC000  }
0xad: {  	[tilespmem:s23], [sflag:$0x2] =	stream.indirect.gather [hbm4b:s1+s21], $0x80, s11, s21, $0xb8;
	[tilespmem:$0x1E6F8] =	vst v63  }
0xae: {  	_ =	swait.ge [sflag:s19], $0x4000  }
0xaf: {  	[sflag:s19] =	ssyncset.done $0x0  }
0xb0: {  	s10 =	simm.s32 $0x1500;
	[sflag:s19] =	ssyncadd.s32 $0xFFFFC000  }
0xb1: {  	[spmem:s2] =	stream.indirect.scatter.add.f32 [tilespmem:s22], [sflag:$0x3], $0x80, s10, s21, $0xb8;
	[tilespmem:$0x1E6F8] =	vst v63  }
0xb2: {  	_ = 	snop  }
0xb3: {  	[spmem:s3] =	stream.indirect.scatter.add.f32 [tilespmem:s24], [sflag:$0x5], $0x1, s10, s21, $0xb8;
	[tilespmem:$0x1E6F8] =	vst v63  }
0xb4: {  	_ =	swait.ge [sflag:s25], $0x4000  }
0xb5: {  	[sflag:s25] =	ssyncset.done $0x0  }
0xb6: {  	s11 =	simm.s32 $0x200;
	[sflag:s25] =	ssyncadd.s32 $0xFFFFC000  }
0xb7: {  	[tilespmem:s22], [sflag:$0x1] =	stream.indirect.gather [hbm4b:s1+s21], $0x80, s11, s21, $0xb8;
	[tilespmem:$0x1E6F8] =	vst v63  }
0xb8: {  	_ =	swait.ge [sflag:s20], $0x4000  }
0xb9: {  	[sflag:s20] =	ssyncset.done $0x0  }
0xba: {  	s9 =	simm.s32 $0xFFFFBC00;
	s10 =	simm.s32 $0x1580;
	[sflag:s20] =	ssyncadd.s32 $0xFFFFC000  }
0xbb: {  	[spmem:s2] =	stream.indirect.scatter.add.f32 [tilespmem:s23], [sflag:$0x4], $0x80, s10, s21, $0xb8;
	[tilespmem:$0x1E6F8] =	vst v63  }
.LBB2_4:
0xbc: {  	[spmem:s3] =	stream.indirect.scatter.add.f32 [tilespmem:s24], [sflag:$0x5], $0x1, s10, s21, $0xb8;
	[tilespmem:$0x1E6F8] =	vst v63  }
0xbd: {  	s10 =	smov.u32 s9  }
0xbe: {  	p1 =	sne.s32 s9, $0xFFFFFC00;
	s9 =	sadd.s32 $0x400, s9;
	_ =	swait.ge [sflag:s29], $0x4000  }
0xbf: {  	s10 =	sshra.s32 s10, $0x2;
	[sflag:s29] =	ssyncset.done $0x0  }
0xc0: {  	s11 =	sadd.s32 $0x1380, s10;
	[sflag:s29] =	ssyncadd.s32 $0xFFFFC000  }
0xc1: {  	[tilespmem:s23], [sflag:$0x2] =	stream.indirect.gather [hbm4b:s1+s21], $0x80, s11, s21, $0xb8;
	[tilespmem:$0x1E6F8] =	vst v63  }
0xc2: {  	_ =	swait.ge [sflag:s19], $0x4000  }
0xc3: {  	[sflag:s19] =	ssyncset.done $0x0  }
0xc4: {  	s11 =	sadd.s32 $0x2700, s10;
	[sflag:s19] =	ssyncadd.s32 $0xFFFFC000  }
0xc5: {  	[spmem:s2] =	stream.indirect.scatter.add.f32 [tilespmem:s22], [sflag:$0x3], $0x80, s11, s21, $0xb8;
	[tilespmem:$0x1E6F8] =	vst v63  }
0xc6: {  	_ = 	snop  }
0xc7: {  	[spmem:s3] =	stream.indirect.scatter.add.f32 [tilespmem:s24], [sflag:$0x5], $0x1, s11, s21, $0xb8;
	[tilespmem:$0x1E6F8] =	vst v63  }
0xc8: {  	_ =	swait.ge [sflag:s25], $0x4000  }
0xc9: {  	[sflag:s25] =	ssyncset.done $0x0  }
0xca: {  	s11 =	sadd.s32 $0x1400, s10;
	[sflag:s25] =	ssyncadd.s32 $0xFFFFC000  }
0xcb: {  	[tilespmem:s22], [sflag:$0x1] =	stream.indirect.gather [hbm4b:s1+s21], $0x80, s11, s21, $0xb8;
	[tilespmem:$0x1E6F8] =	vst v63  }
.Ltmp1:
0xcc: {  	_ = 	snop;
	(pc) =	sbr.rel @p1 .LBB2_4-.Ltmp1, $4  }
0xcd: {  	_ =	swait.ge [sflag:s20], $0x4000  }
0xce: {  	[sflag:s20] =	ssyncset.done $0x0  }
0xcf: {  	s10 =	sadd.s32 $0x2780, s10;
	[sflag:s20] =	ssyncadd.s32 $0xFFFFC000  }
0xd0: {  	[spmem:s2] =	stream.indirect.scatter.add.f32 [tilespmem:s23], [sflag:$0x4], $0x80, s10, s21, $0xb8;
	[tilespmem:$0x1E6F8] =	vst v63  }
0xd1: {  	[spmem:s3] =	stream.indirect.scatter.add.f32 [tilespmem:s24], [sflag:$0x5], $0x1, s10, s21, $0xb8;
	[tilespmem:$0x1E6F8] =	vst v63  }
0xd2: {  	_ =	swait.ge [sflag:s29], $0x4000  }
0xd3: {  	[sflag:s29] =	ssyncset.done $0x0  }
0xd4: {  	[sflag:s29] =	ssyncadd.s32 $0xFFFFC000  }
0xd5: {  	[tilespmem:s23], [sflag:$0x2] =	stream.indirect.gather [hbm4b:s1+s21], $0x80, s30, s21, $0xb8;
	[tilespmem:$0x1E6F8] =	vst v63  }
0xd6: {  	_ =	swait.ge [sflag:s19], $0x4000  }
0xd7: {  	[sflag:s19] =	ssyncset.done $0x0  }
0xd8: {  	[sflag:s19] =	ssyncadd.s32 $0xFFFFC000  }
0xd9: {  	[spmem:s2] =	stream.indirect.scatter.add.f32 [tilespmem:s22], [sflag:$0x3], $0x80, s31, s21, $0xb8;
	[tilespmem:$0x1E6F8] =	vst v63  }
0xda: {  	_ = 	snop  }
0xdb: {  	[spmem:s3] =	stream.indirect.scatter.add.f32 [tilespmem:s24], [sflag:$0x5], $0x1, s31, s21, $0xb8;
	[tilespmem:$0x1E6F8] =	vst v63  }
0xdc: {  	_ =	swait.ge [sflag:s20], $0x4000  }
0xdd: {  	[sflag:s20] =	ssyncset.done $0x0  }
0xde: {  	[sflag:s20] =	ssyncadd.s32 $0xFFFFC000  }
0xdf: {  	[spmem:s2] =	stream.indirect.scatter.add.f32 [tilespmem:s23], [sflag:$0x4], $0x80, s0, s21, $0xb8;
	[tilespmem:$0x1E6F8] =	vst v63  }
0xe0: {  	_ = 	snop  }
0xe1: {  	[spmem:s3] =	stream.indirect.scatter.add.f32 [tilespmem:s24], [sflag:$0x5], $0x1, s0, s21, $0xb8;
	[tilespmem:$0x1E6F8] =	vst v63  }
0xe2: {  	_ =	swait.ge [sflag:s25], $0x4000  }
0xe3: {  	[sflag:s25] =	ssyncset.done $0x0  }
0xe4: {  	[sflag:s25] =	ssyncadd.s32 $0xFFFFC000  }
0xe5: {  	_ =	swait.ge [sflag:s29], $0x4000  }
0xe6: {  	[sflag:s29] =	ssyncset.done $0x0  }
0xe7: {  	[sflag:s29] =	ssyncadd.s32 $0xFFFFC000  }
0xe8: {  	_ =	swait.ge [sflag:s5], $0x1400  }
0xe9: {  	[sflag:s5] =	ssyncset.done $0x0  }
0xea: {  	[sflag:s5] =	ssyncadd.s32 $0xFFFFEC00  }
0xeb: {  	s9 =	sor.u32 $0x1C06, s7;
	[bflag:$0x0] =	sbarrier.arrive $0xFFFF  }
0xec: {  	[hbm:s13], [sflag:s9] =	dma.local [spmem:s16], $0x2780  }
0xed: {  	_ =	swait.ge [sflag:s6], $0x2780  }
0xee: {  	s8 =	sadd.s32 $0x1, s8;
	[sflag:s6] =	ssyncset.done $0x0  }
0xef: {  	p1 =	sne.s32 s8, s15;
	[sflag:s6] =	ssyncadd.s32 $0xFFFFD880  }
0xf0: {  	[hbm:s14], [sflag:s9] =	dma.local @!p0 [spmem:s17], $0x4F0  }
.Ltmp2:
0xf1: {  	_ = 	snop;
	(pc) =	sbr.rel @p1 .LBB2_1-.Ltmp2, $4  }
0xf2: {  	s9 =	simm.s32 @!p0 $0x6  }
0xf3: {  	_ =	swait.ge @!p0 [sflag:s9], $0x4F0  }
0xf4: {  	[sflag:s9] =	ssyncset.done @!p0 $0x0  }
0xf5: {  	[sflag:s9] =	ssyncadd.s32 @!p0 $0xFFFFFB10  }
0xf6: {  	_ =	sfence.sel $0x180000  }
0xf7: {  	[bflag:$0x0] =	sbarrier.arrive $0xFFFF  }
0xf8: {  	_ =	strace $0x90000047  }
0xf9: {  	[bflag:$0x2] =	sbarrier.arrive $0xFFFF  }
0xfa: {  	s0 =	rddreg [dreg:$0x5]  }
0xfb: {  	s0 =	sadd.s32 @!p0 $0x100000, s0  }
0xfc: {  	[sflag:s0] =	ssyncadd.tile.s32 @!p0 $0x1;
	_ =	shalt  }
.Lfunc_end2:
_tile_overlayer_lowered:
.L_overlay_start_2:
0xfd: {  	(tag) =	ssettag $0x2  }
0xfe: {  	s0 =	rddreg [dreg:$0x0];
	s2 =	stileid.u32  }
0xff: {  	s1 =	rddreg [dreg:$0x1];
	p0 =	sne.s32 s2, $0x0  }
0x100: {  	s3 =	rddreg [dreg:$0x2];
	[bflag:$0x3] =	sbarrier.arrive $0xFFFF;
	s2 =	simm.s32 @!p0 $0x1C06  }
0x101: {  	[timem:s3], [sflag:s2] =	dma.local @!p0 [hbm:s0], s1  }
0x102: {  	s0 =	simm.s32 @!p0 $0x6  }
0x103: {  	_ =	swait.ge @!p0 [sflag:s0], s1  }
0x104: {  	s1 =	ssub.s32 @!p0 $0x0, s1;
	[sflag:s0] =	ssyncset.done @!p0 $0x0  }
0x105: {  	[sflag:s0] =	ssyncadd.s32 @!p0 s1  }
0x106: {  	[bflag:$0x3] =	sbarrier.arrive $0xFFFF  }
0x107: {  	_ =	shalt  }

</sc_bundles>
